<compile_context>
chip_gen: v7x
topology: tpu7x:2x2x1
jax: 0.10.2.dev20260603
libtpu: 0.0.44.dev20260713+nightly
codegen_flags: <defaults>
</compile_context>

<pallas_src>
import dataclasses
import functools

import jax
import jax.numpy as jnp
from jax import lax
from jax.experimental import pallas as pl
from jax.experimental.pallas import tpu as pltpu
from jax.experimental.pallas import tpu_sc as plsc

_NB = 4
_C = 512
_F = 128
_N = 256
_NP = _N // 2
_V = 100000
_CT = _NB * _C

_NTILES = 32
_W = 64
_NCH = 49
_PER_TILE = _W * _NCH
_VPAD = _NTILES * _PER_TILE


def _logits_body(x_ref, w_ref, b_ref, c_ref, out_ref, idx_ref):
    for b in range(_NB):
        xb = x_ref[:, b * _F:(b + 1) * _F]
        wb = w_ref[b]
        acc = lax.dot_general(
            wb, xb, (((1,), (1,)), ((), ())),
            preferred_element_type=jnp.float32)
        acc = acc + b_ref[b][:, None]
        lo = lax.bitcast_convert_type(
            acc[:, :_NP].astype(jnp.bfloat16), jnp.uint16).astype(jnp.uint32)
        hi = lax.bitcast_convert_type(
            acc[:, _NP:].astype(jnp.bfloat16), jnp.uint16).astype(jnp.uint32)
        packed = lo | (hi << 16)
        out_ref[b * _C:(b + 1) * _C, :] = lax.bitcast_convert_type(
            packed, jnp.int32)
        idx_ref[b, :] = c_ref[b, :] + (b * _C)


def _compute_logits(x, w, bias, coords_pad):
    return pl.pallas_call(
        _logits_body,
        out_shape=(jax.ShapeDtypeStruct((_CT, _NP), jnp.int32),
                   jax.ShapeDtypeStruct((_NB, _VPAD), jnp.int32)),
    )(x, w, bias, coords_pad)


def _decode_body(tt_hbm, idx_hbm, out_hbm,
                 idxa, rows0, rows1, out_v0, out_v1, sg0, sg1, so0, so1):
    cid = lax.axis_index("c")
    sid = lax.axis_index("s")
    wid = sid * 2 + cid
    vb = wid * _PER_TILE

    for b in range(_NB):
        pltpu.sync_copy(idx_hbm.at[pl.ds(b * _VPAD + vb, _PER_TILE)],
                        idxa.at[pl.ds(b * _PER_TILE, _PER_TILE)])

    rows = (rows0, rows1)
    gsems = (sg0, sg1)
    osems = (so0, so1)

    def _gather_start(k, s):
        for b in range(_NB):
            pltpu.async_copy(
                tt_hbm.at[idxa.at[pl.ds(b * _PER_TILE + k * _W, _W)]],
                rows[s][b], gsems[s])

    def _gather_wait(k, s):
        for b in range(_NB):
            pltpu.make_async_copy(
                tt_hbm.at[idxa.at[pl.ds(b * _PER_TILE + k * _W, _W)]],
                rows[s][b], gsems[s]).wait()

    def _out_start(k, s):
        pltpu.async_copy(
            out_v0 if s == 0 else out_v1,
            out_hbm.at[pl.ds(vb + k * _W, _W), :], osems[s])

    def _out_wait(s):
        pltpu.make_async_copy(
            out_v0 if s == 0 else out_v1,
            out_hbm.at[pl.ds(vb, _W), :], osems[s]).wait()

    def _compute(s):
        rset = rows[s]
        out_v = out_v0 if s == 0 else out_v1

        @pl.loop(0, _W)
        def _row(v):
            for r in range(_NP // 16):
                sl = pl.ds(r * 16, 16)
                acc = plsc.bitcast(rset[0][v, sl], jnp.bfloat16)
                for b in range(1, _NB):
                    acc = acc + plsc.bitcast(rset[b][v, sl], jnp.bfloat16)
                out_v[v, sl] = plsc.bitcast(acc, jnp.int32)

    _gather_start(0, 0)

    @pl.loop(0, _NCH - 1, step=2)
    def _chunk(i):
        for s in range(2):
            k = i + s
            _gather_start(k + 1, 1 - s)
            _gather_wait(k, s)

            @pl.when(k >= 2)
            def _drain():
                _out_wait(s)

            _compute(s)
            _out_start(k, s)

    _gather_wait(_NCH - 1, 0)
    _out_wait(0)
    _compute(0)
    _out_start(_NCH - 1, 0)
    _out_wait(0)
    _out_wait(1)


_SC_PARAMS = pltpu.CompilerParams()
if "needs_layout_passes" in pltpu.CompilerParams.__dataclass_fields__:
    _SC_PARAMS = dataclasses.replace(_SC_PARAMS, needs_layout_passes=False)


@functools.partial(
    pl.kernel,
    out_type=jax.ShapeDtypeStruct((_VPAD, _NP), jnp.int32),
    compiler_params=_SC_PARAMS,
    mesh=plsc.VectorSubcoreMesh(core_axis_name="c", subcore_axis_name="s"),
    scratch_types=[
        pltpu.VMEM((_NB * _PER_TILE,), jnp.int32),
        tuple(pltpu.VMEM((_W, _NP), jnp.int32) for _ in range(_NB)),
        tuple(pltpu.VMEM((_W, _NP), jnp.int32) for _ in range(_NB)),
        pltpu.VMEM((_W, _NP), jnp.int32),
        pltpu.VMEM((_W, _NP), jnp.int32),
        pltpu.SemaphoreType.DMA,
        pltpu.SemaphoreType.DMA,
        pltpu.SemaphoreType.DMA,
        pltpu.SemaphoreType.DMA,
    ],
)
def _decode(tt_hbm, idx_hbm, out_hbm,
            idxa, rows0, rows1, out_v0, out_v1, sg0, sg1, so0, so1):
    _decode_body(tt_hbm, idx_hbm, out_hbm,
                 idxa, rows0, rows1, out_v0, out_v1, sg0, sg1, so0, so1)


_FB = 2000


def _finish_body(in_ref, out_ref):
    xu = lax.bitcast_convert_type(in_ref[...], jnp.uint32)
    lo = lax.bitcast_convert_type(xu << 16, jnp.float32)
    hi = lax.bitcast_convert_type(xu & jnp.uint32(0xFFFF0000), jnp.float32)
    out_ref[:, :_NP] = lo
    out_ref[:, _NP:] = hi


def _finish(packed):
    return pl.pallas_call(
        _finish_body,
        grid=(_V // _FB,),
        in_specs=[pl.BlockSpec((_FB, _NP), lambda i: (i, 0))],
        out_specs=pl.BlockSpec((_FB, _N), lambda i: (i, 0)),
        out_shape=jax.ShapeDtypeStruct((_V, _N), jnp.float32),
    )(packed)


@jax.jit
def kernel(input, weight, bias, coordinates):
    coords_pad = jnp.concatenate(
        [coordinates,
         jnp.zeros((_NB, _VPAD - _V), jnp.int32)], axis=1)
    tt, idxp = _compute_logits(input, weight, bias, coords_pad)
    idxf = idxp.reshape(_NB * _VPAD)
    packed = _decode(tt, idxf)
    return _finish(packed).T

# --- scband reference (transcript-rebuilt; emitter-appended) ---
"""Pipeline reference for scband-basis-linear-47510928228962 (READ-ONLY COPY).

The authoritative reference and input builder live on the scoring server;
editing this copy changes nothing except your own understanding.
"""

import jax, jax.numpy as jnp
import numpy as np

NUM_BASIS = 4
NUM_CLUSTERS = 512
IN_FEATURES = 512
OUT_FEATURES = 100000
FPB = IN_FEATURES // NUM_BASIS
N_TOKENS = 256


def setup_inputs(seed: int = 0) -> dict:
    key = jax.random.key(seed)
    k1, k2, k3, k4 = jax.random.split(key, 4)
    x = jax.random.normal(k1, (N_TOKENS, IN_FEATURES), dtype=jnp.float32)
    # basis codebook weight: (num_basis, num_clusters, features_per_basis)
    weight = 0.01 * jax.random.normal(k2, (NUM_BASIS, NUM_CLUSTERS, FPB), dtype=jnp.float32)
    # bias: (num_basis, num_clusters)
    bias = 0.01 * jax.random.normal(k3, (NUM_BASIS, NUM_CLUSTERS), dtype=jnp.float32)
    # coordinates buffer (from basis_cluster, transposed): (num_basis, out_features), values in [0, num_clusters)
    coordinates = jax.random.randint(k4, (NUM_BASIS, OUT_FEATURES), 0, NUM_CLUSTERS, dtype=jnp.int32)
    return {"input": x, "weight": weight, "bias": bias, "coordinates": coordinates}


def reference(input, weight, bias, coordinates):
    # input: (N, in_features) -> (N, num_basis, fpb) -> (num_basis, fpb, N)
    inputs = input.reshape(-1, NUM_BASIS, FPB)
    inputs = jnp.transpose(inputs, (1, 2, 0))
    # baddbmm: bias[:, :, None] + weight @ inputs -> (num_basis, num_clusters, N)
    output = jnp.einsum('bcf,bfn->bcn', weight, inputs) + bias[:, :, None]
    # _decode: gather per-word cluster likelihoods along cluster dim
    # coordinates: (num_basis, V) -> (num_basis, V, 1) broadcast over N
    idx = coordinates[:, :, None]
    likelihoods = jnp.take_along_axis(output, idx, axis=1)  # (num_basis, V, N)
    likelihoods = jnp.sum(likelihoods, axis=0).T  # (N, V)
    return likelihoods

if __name__ == "__main__":
    import jax
    _d = setup_inputs()
    print(jax.jit(kernel)(*tuple(_d.values())))

</pallas_src>

<mosaic_0001>
#map = affine_map<(d0, d1) -> (0, 0)>
#map1 = affine_map<(d0, d1) -> (0)>
module attributes {stable_mosaic.version = 14 : i64} {
  func.func @_decode(%arg0: i32, %arg1: i32, %arg2: memref<2048x128xi32, #tpu.memory_space<hbm>>, %arg3: memref<401408xi32, #tpu.memory_space<hbm>>, %arg4: memref<100352x128xi32, #tpu.memory_space<hbm>>, %arg5: memref<12544xi32, #tpu.memory_space<vmem>>, %arg6: memref<64x128xi32, #tpu.memory_space<vmem>>, %arg7: memref<64x128xi32, #tpu.memory_space<vmem>>, %arg8: memref<64x128xi32, #tpu.memory_space<vmem>>, %arg9: memref<64x128xi32, #tpu.memory_space<vmem>>, %arg10: memref<64x128xi32, #tpu.memory_space<vmem>>, %arg11: memref<64x128xi32, #tpu.memory_space<vmem>>, %arg12: memref<64x128xi32, #tpu.memory_space<vmem>>, %arg13: memref<64x128xi32, #tpu.memory_space<vmem>>, %arg14: memref<64x128xi32, #tpu.memory_space<vmem>>, %arg15: memref<64x128xi32, #tpu.memory_space<vmem>>, %arg16: memref<!tpu.dma_semaphore, #tpu.memory_space<semaphore_mem>>, %arg17: memref<!tpu.dma_semaphore, #tpu.memory_space<semaphore_mem>>, %arg18: memref<!tpu.dma_semaphore, #tpu.memory_space<semaphore_mem>>, %arg19: memref<!tpu.dma_semaphore, #tpu.memory_space<semaphore_mem>>) attributes {dimension_semantics = [#tpu.dimension_semantics<core_parallel>, #tpu.dimension_semantics<subcore_parallel>], iteration_bounds = array<i64: 2, 16>, scalar_prefetch = 0 : i64, scratch_operands = 15 : i64, tpu.core_type = #tpu.core_type<sc_vector_subcore>, window_params = [{transform_indices = #map}, {transform_indices = #map1}, {transform_indices = #map}]} {
    %mul3A = arith.constant 2 : i32
    %mul3A_0 = arith.muli %arg1, %mul3A : i32
    %add3A = arith.addi %mul3A_0, %arg0 : i32
    %mul3A_1 = arith.constant 3136 : i32
    %mul3A_2 = arith.muli %add3A, %mul3A_1 : i32
    %add3A_3 = arith.constant 0 : i32
    %add3A_4 = arith.addi %add3A_3, %mul3A_2 : i32
    "tpu.region"() ({
      %run_scoped3A = tpu.sem_alloc : memref<!tpu.dma_semaphore, #tpu.memory_space<semaphore_mem>>
      %dma_start3A_76 = arith.constant 0 : i32
      %dma_start3A_77 = tpu.memref_slice %arg5[%dma_start3A_76] : memref<12544xi32, #tpu.memory_space<vmem>> -> memref<3136xi32, #tpu.memory_space<vmem>>
      %dma_start3A_78 = tpu.memref_slice %arg3[%add3A_4] : memref<401408xi32, #tpu.memory_space<hbm>> -> memref<3136xi32, #tpu.memory_space<hbm>>
      %dma_start3A_79 = arith.constant 0 : i32
      %dma_start3A_80 = tpu.memref_slice %arg5[%dma_start3A_79] : memref<12544xi32, #tpu.memory_space<vmem>> -> memref<3136xi32, #tpu.memory_space<vmem>>
      %dma_start3A_81 = tpu.memref_slice %arg3[%add3A_4] : memref<401408xi32, #tpu.memory_space<hbm>> -> memref<3136xi32, #tpu.memory_space<hbm>>
      tpu.enqueue_dma source(%dma_start3A_81 : memref<3136xi32, #tpu.memory_space<hbm>>) target(%dma_start3A_80 : memref<3136xi32, #tpu.memory_space<vmem>>) target_semaphore(%run_scoped3A : memref<!tpu.dma_semaphore, #tpu.memory_space<semaphore_mem>>)
      %dma_wait3A_82 = arith.constant 0 : i32
      %dma_wait3A_83 = tpu.memref_slice %arg5[%dma_wait3A_82] : memref<12544xi32, #tpu.memory_space<vmem>> -> memref<3136xi32, #tpu.memory_space<vmem>>
      %dma_wait3A_84 = tpu.memref_slice %arg3[%add3A_4] : memref<401408xi32, #tpu.memory_space<hbm>> -> memref<3136xi32, #tpu.memory_space<hbm>>
      %dma_wait3A_85 = arith.constant 0 : i32
      %dma_wait3A_86 = tpu.memref_slice %arg5[%dma_wait3A_85] : memref<12544xi32, #tpu.memory_space<vmem>> -> memref<3136xi32, #tpu.memory_space<vmem>>
      %dma_wait3A_87 = tpu.memref_slice %arg3[%add3A_4] : memref<401408xi32, #tpu.memory_space<hbm>> -> memref<3136xi32, #tpu.memory_space<hbm>>
      tpu.wait_dma2 semaphore(%run_scoped3A : memref<!tpu.dma_semaphore, #tpu.memory_space<semaphore_mem>>) src(%dma_wait3A_87 : memref<3136xi32, #tpu.memory_space<hbm>>) dst(%dma_wait3A_86 : memref<3136xi32, #tpu.memory_space<vmem>>)
      tpu.yield
    }) : () -> ()
    %add3A_5 = arith.constant 100352 : i32
    %add3A_6 = arith.addi %add3A_5, %mul3A_2 : i32
    "tpu.region"() ({
      %run_scoped3A = tpu.sem_alloc : memref<!tpu.dma_semaphore, #tpu.memory_space<semaphore_mem>>
      %dma_start3A_76 = arith.constant 3136 : i32
      %dma_start3A_77 = tpu.memref_slice %arg5[%dma_start3A_76] : memref<12544xi32, #tpu.memory_space<vmem>> -> memref<3136xi32, #tpu.memory_space<vmem>>
      %dma_start3A_78 = tpu.memref_slice %arg3[%add3A_6] : memref<401408xi32, #tpu.memory_space<hbm>> -> memref<3136xi32, #tpu.memory_space<hbm>>
      %dma_start3A_79 = arith.constant 3136 : i32
      %dma_start3A_80 = tpu.memref_slice %arg5[%dma_start3A_79] : memref<12544xi32, #tpu.memory_space<vmem>> -> memref<3136xi32, #tpu.memory_space<vmem>>
      %dma_start3A_81 = tpu.memref_slice %arg3[%add3A_6] : memref<401408xi32, #tpu.memory_space<hbm>> -> memref<3136xi32, #tpu.memory_space<hbm>>
      tpu.enqueue_dma source(%dma_start3A_81 : memref<3136xi32, #tpu.memory_space<hbm>>) target(%dma_start3A_80 : memref<3136xi32, #tpu.memory_space<vmem>>) target_semaphore(%run_scoped3A : memref<!tpu.dma_semaphore, #tpu.memory_space<semaphore_mem>>)
      %dma_wait3A_82 = arith.constant 3136 : i32
      %dma_wait3A_83 = tpu.memref_slice %arg5[%dma_wait3A_82] : memref<12544xi32, #tpu.memory_space<vmem>> -> memref<3136xi32, #tpu.memory_space<vmem>>
      %dma_wait3A_84 = tpu.memref_slice %arg3[%add3A_6] : memref<401408xi32, #tpu.memory_space<hbm>> -> memref<3136xi32, #tpu.memory_space<hbm>>
      %dma_wait3A_85 = arith.constant 3136 : i32
      %dma_wait3A_86 = tpu.memref_slice %arg5[%dma_wait3A_85] : memref<12544xi32, #tpu.memory_space<vmem>> -> memref<3136xi32, #tpu.memory_space<vmem>>
      %dma_wait3A_87 = tpu.memref_slice %arg3[%add3A_6] : memref<401408xi32, #tpu.memory_space<hbm>> -> memref<3136xi32, #tpu.memory_space<hbm>>
      tpu.wait_dma2 semaphore(%run_scoped3A : memref<!tpu.dma_semaphore, #tpu.memory_space<semaphore_mem>>) src(%dma_wait3A_87 : memref<3136xi32, #tpu.memory_space<hbm>>) dst(%dma_wait3A_86 : memref<3136xi32, #tpu.memory_space<vmem>>)
      tpu.yield
    }) : () -> ()
    %add3A_7 = arith.constant 200704 : i32
    %add3A_8 = arith.addi %add3A_7, %mul3A_2 : i32
    "tpu.region"() ({
      %run_scoped3A = tpu.sem_alloc : memref<!tpu.dma_semaphore, #tpu.memory_space<semaphore_mem>>
      %dma_start3A_76 = arith.constant 6272 : i32
      %dma_start3A_77 = tpu.memref_slice %arg5[%dma_start3A_76] : memref<12544xi32, #tpu.memory_space<vmem>> -> memref<3136xi32, #tpu.memory_space<vmem>>
      %dma_start3A_78 = tpu.memref_slice %arg3[%add3A_8] : memref<401408xi32, #tpu.memory_space<hbm>> -> memref<3136xi32, #tpu.memory_space<hbm>>
      %dma_start3A_79 = arith.constant 6272 : i32
      %dma_start3A_80 = tpu.memref_slice %arg5[%dma_start3A_79] : memref<12544xi32, #tpu.memory_space<vmem>> -> memref<3136xi32, #tpu.memory_space<vmem>>
      %dma_start3A_81 = tpu.memref_slice %arg3[%add3A_8] : memref<401408xi32, #tpu.memory_space<hbm>> -> memref<3136xi32, #tpu.memory_space<hbm>>
      tpu.enqueue_dma source(%dma_start3A_81 : memref<3136xi32, #tpu.memory_space<hbm>>) target(%dma_start3A_80 : memref<3136xi32, #tpu.memory_space<vmem>>) target_semaphore(%run_scoped3A : memref<!tpu.dma_semaphore, #tpu.memory_space<semaphore_mem>>)
      %dma_wait3A_82 = arith.constant 6272 : i32
      %dma_wait3A_83 = tpu.memref_slice %arg5[%dma_wait3A_82] : memref<12544xi32, #tpu.memory_space<vmem>> -> memref<3136xi32, #tpu.memory_space<vmem>>
      %dma_wait3A_84 = tpu.memref_slice %arg3[%add3A_8] : memref<401408xi32, #tpu.memory_space<hbm>> -> memref<3136xi32, #tpu.memory_space<hbm>>
      %dma_wait3A_85 = arith.constant 6272 : i32
      %dma_wait3A_86 = tpu.memref_slice %arg5[%dma_wait3A_85] : memref<12544xi32, #tpu.memory_space<vmem>> -> memref<3136xi32, #tpu.memory_space<vmem>>
      %dma_wait3A_87 = tpu.memref_slice %arg3[%add3A_8] : memref<401408xi32, #tpu.memory_space<hbm>> -> memref<3136xi32, #tpu.memory_space<hbm>>
      tpu.wait_dma2 semaphore(%run_scoped3A : memref<!tpu.dma_semaphore, #tpu.memory_space<semaphore_mem>>) src(%dma_wait3A_87 : memref<3136xi32, #tpu.memory_space<hbm>>) dst(%dma_wait3A_86 : memref<3136xi32, #tpu.memory_space<vmem>>)
      tpu.yield
    }) : () -> ()
    %add3A_9 = arith.constant 301056 : i32
    %add3A_10 = arith.addi %add3A_9, %mul3A_2 : i32
    "tpu.region"() ({
      %run_scoped3A = tpu.sem_alloc : memref<!tpu.dma_semaphore, #tpu.memory_space<semaphore_mem>>
      %dma_start3A_76 = arith.constant 9408 : i32
      %dma_start3A_77 = tpu.memref_slice %arg5[%dma_start3A_76] : memref<12544xi32, #tpu.memory_space<vmem>> -> memref<3136xi32, #tpu.memory_space<vmem>>
      %dma_start3A_78 = tpu.memref_slice %arg3[%add3A_10] : memref<401408xi32, #tpu.memory_space<hbm>> -> memref<3136xi32, #tpu.memory_space<hbm>>
      %dma_start3A_79 = arith.constant 9408 : i32
      %dma_start3A_80 = tpu.memref_slice %arg5[%dma_start3A_79] : memref<12544xi32, #tpu.memory_space<vmem>> -> memref<3136xi32, #tpu.memory_space<vmem>>
      %dma_start3A_81 = tpu.memref_slice %arg3[%add3A_10] : memref<401408xi32, #tpu.memory_space<hbm>> -> memref<3136xi32, #tpu.memory_space<hbm>>
      tpu.enqueue_dma source(%dma_start3A_81 : memref<3136xi32, #tpu.memory_space<hbm>>) target(%dma_start3A_80 : memref<3136xi32, #tpu.memory_space<vmem>>) target_semaphore(%run_scoped3A : memref<!tpu.dma_semaphore, #tpu.memory_space<semaphore_mem>>)
      %dma_wait3A_82 = arith.constant 9408 : i32
      %dma_wait3A_83 = tpu.memref_slice %arg5[%dma_wait3A_82] : memref<12544xi32, #tpu.memory_space<vmem>> -> memref<3136xi32, #tpu.memory_space<vmem>>
      %dma_wait3A_84 = tpu.memref_slice %arg3[%add3A_10] : memref<401408xi32, #tpu.memory_space<hbm>> -> memref<3136xi32, #tpu.memory_space<hbm>>
      %dma_wait3A_85 = arith.constant 9408 : i32
      %dma_wait3A_86 = tpu.memref_slice %arg5[%dma_wait3A_85] : memref<12544xi32, #tpu.memory_space<vmem>> -> memref<3136xi32, #tpu.memory_space<vmem>>
      %dma_wait3A_87 = tpu.memref_slice %arg3[%add3A_10] : memref<401408xi32, #tpu.memory_space<hbm>> -> memref<3136xi32, #tpu.memory_space<hbm>>
      tpu.wait_dma2 semaphore(%run_scoped3A : memref<!tpu.dma_semaphore, #tpu.memory_space<semaphore_mem>>) src(%dma_wait3A_87 : memref<3136xi32, #tpu.memory_space<hbm>>) dst(%dma_wait3A_86 : memref<3136xi32, #tpu.memory_space<vmem>>)
      tpu.yield
    }) : () -> ()
    %dma_start3A = arith.constant 0 : i32
    %dma_start3A_11 = tpu.memref_slice %arg5[%dma_start3A] : memref<12544xi32, #tpu.memory_space<vmem>> -> memref<64xi32, #tpu.memory_space<vmem>>
    %dma_start3A_12 = arith.constant 0 : i32
    %dma_start3A_13 = arith.constant 0 : i32
    %dma_start3A_14 = tpu.memref_slice %arg2[%dma_start3A_12, %dma_start3A_13] : memref<2048x128xi32, #tpu.memory_space<hbm>> -> memref<2048x128xi32, #tpu.memory_space<hbm>>
    tpu.enqueue_indirect_dma source(%dma_start3A_14 : memref<2048x128xi32, #tpu.memory_space<hbm>>) target(%arg6 : memref<64x128xi32, #tpu.memory_space<vmem>>) offsets(%dma_start3A_11 : memref<64xi32, #tpu.memory_space<vmem>>) semaphore(%arg16 : memref<!tpu.dma_semaphore, #tpu.memory_space<semaphore_mem>>)
    %dma_start3A_15 = arith.constant 3136 : i32
    %dma_start3A_16 = tpu.memref_slice %arg5[%dma_start3A_15] : memref<12544xi32, #tpu.memory_space<vmem>> -> memref<64xi32, #tpu.memory_space<vmem>>
    %dma_start3A_17 = arith.constant 0 : i32
    %dma_start3A_18 = arith.constant 0 : i32
    %dma_start3A_19 = tpu.memref_slice %arg2[%dma_start3A_17, %dma_start3A_18] : memref<2048x128xi32, #tpu.memory_space<hbm>> -> memref<2048x128xi32, #tpu.memory_space<hbm>>
    tpu.enqueue_indirect_dma source(%dma_start3A_19 : memref<2048x128xi32, #tpu.memory_space<hbm>>) target(%arg7 : memref<64x128xi32, #tpu.memory_space<vmem>>) offsets(%dma_start3A_16 : memref<64xi32, #tpu.memory_space<vmem>>) semaphore(%arg16 : memref<!tpu.dma_semaphore, #tpu.memory_space<semaphore_mem>>)
    %dma_start3A_20 = arith.constant 6272 : i32
    %dma_start3A_21 = tpu.memref_slice %arg5[%dma_start3A_20] : memref<12544xi32, #tpu.memory_space<vmem>> -> memref<64xi32, #tpu.memory_space<vmem>>
    %dma_start3A_22 = arith.constant 0 : i32
    %dma_start3A_23 = arith.constant 0 : i32
    %dma_start3A_24 = tpu.memref_slice %arg2[%dma_start3A_22, %dma_start3A_23] : memref<2048x128xi32, #tpu.memory_space<hbm>> -> memref<2048x128xi32, #tpu.memory_space<hbm>>
    tpu.enqueue_indirect_dma source(%dma_start3A_24 : memref<2048x128xi32, #tpu.memory_space<hbm>>) target(%arg8 : memref<64x128xi32, #tpu.memory_space<vmem>>) offsets(%dma_start3A_21 : memref<64xi32, #tpu.memory_space<vmem>>) semaphore(%arg16 : memref<!tpu.dma_semaphore, #tpu.memory_space<semaphore_mem>>)
    %dma_start3A_25 = arith.constant 9408 : i32
    %dma_start3A_26 = tpu.memref_slice %arg5[%dma_start3A_25] : memref<12544xi32, #tpu.memory_space<vmem>> -> memref<64xi32, #tpu.memory_space<vmem>>
    %dma_start3A_27 = arith.constant 0 : i32
    %dma_start3A_28 = arith.constant 0 : i32
    %dma_start3A_29 = tpu.memref_slice %arg2[%dma_start3A_27, %dma_start3A_28] : memref<2048x128xi32, #tpu.memory_space<hbm>> -> memref<2048x128xi32, #tpu.memory_space<hbm>>
    tpu.enqueue_indirect_dma source(%dma_start3A_29 : memref<2048x128xi32, #tpu.memory_space<hbm>>) target(%arg9 : memref<64x128xi32, #tpu.memory_space<vmem>>) offsets(%dma_start3A_26 : memref<64xi32, #tpu.memory_space<vmem>>) semaphore(%arg16 : memref<!tpu.dma_semaphore, #tpu.memory_space<semaphore_mem>>)
    %scan3A = arith.constant 0 : i32
    %scan3A_30 = arith.constant 24 : i32
    %scan3A_31 = arith.addi %scan3A, %scan3A_30 : i32
    %scan3A_32 = arith.constant 1 : i32
    scf.for %scan3A_76 = %scan3A to %scan3A_31 step %scan3A_32  : i32 {
      %mul3A_77 = arith.constant 2 : i32
      %mul3A_78 = arith.muli %scan3A_76, %mul3A_77 : i32
      %add3A_79 = arith.constant 0 : i32
      %add3A_80 = arith.addi %add3A_79, %mul3A_78 : i32
      %add3A_81 = arith.constant 0 : i32
      %add3A_82 = arith.addi %add3A_80, %add3A_81 : i32
      %add3A_83 = arith.constant 1 : i32
      %add3A_84 = arith.addi %add3A_82, %add3A_83 : i32
      %mul3A_85 = arith.constant 64 : i32
      %mul3A_86 = arith.muli %add3A_84, %mul3A_85 : i32
      %add3A_87 = arith.constant 0 : i32
      %add3A_88 = arith.addi %add3A_87, %mul3A_86 : i32
      %dma_start3A_89 = tpu.memref_slice %arg5[%add3A_88] : memref<12544xi32, #tpu.memory_space<vmem>> -> memref<64xi32, #tpu.memory_space<vmem>>
      %dma_start3A_90 = arith.constant 0 : i32
      %dma_start3A_91 = arith.constant 0 : i32
      %dma_start3A_92 = tpu.memref_slice %arg2[%dma_start3A_90, %dma_start3A_91] : memref<2048x128xi32, #tpu.memory_space<hbm>> -> memref<2048x128xi32, #tpu.memory_space<hbm>>
      tpu.enqueue_indirect_dma source(%dma_start3A_92 : memref<2048x128xi32, #tpu.memory_space<hbm>>) target(%arg10 : memref<64x128xi32, #tpu.memory_space<vmem>>) offsets(%dma_start3A_89 : memref<64xi32, #tpu.memory_space<vmem>>) semaphore(%arg17 : memref<!tpu.dma_semaphore, #tpu.memory_space<semaphore_mem>>)
      %mul3A_93 = arith.constant 64 : i32
      %mul3A_94 = arith.muli %add3A_84, %mul3A_93 : i32
      %add3A_95 = arith.constant 3136 : i32
      %add3A_96 = arith.addi %add3A_95, %mul3A_94 : i32
      %dma_start3A_97 = tpu.memref_slice %arg5[%add3A_96] : memref<12544xi32, #tpu.memory_space<vmem>> -> memref<64xi32, #tpu.memory_space<vmem>>
      %dma_start3A_98 = arith.constant 0 : i32
      %dma_start3A_99 = arith.constant 0 : i32
      %dma_start3A_100 = tpu.memref_slice %arg2[%dma_start3A_98, %dma_start3A_99] : memref<2048x128xi32, #tpu.memory_space<hbm>> -> memref<2048x128xi32, #tpu.memory_space<hbm>>
      tpu.enqueue_indirect_dma source(%dma_start3A_100 : memref<2048x128xi32, #tpu.memory_space<hbm>>) target(%arg11 : memref<64x128xi32, #tpu.memory_space<vmem>>) offsets(%dma_start3A_97 : memref<64xi32, #tpu.memory_space<vmem>>) semaphore(%arg17 : memref<!tpu.dma_semaphore, #tpu.memory_space<semaphore_mem>>)
      %mul3A_101 = arith.constant 64 : i32
      %mul3A_102 = arith.muli %add3A_84, %mul3A_101 : i32
      %add3A_103 = arith.constant 6272 : i32
      %add3A_104 = arith.addi %add3A_103, %mul3A_102 : i32
      %dma_start3A_105 = tpu.memref_slice %arg5[%add3A_104] : memref<12544xi32, #tpu.memory_space<vmem>> -> memref<64xi32, #tpu.memory_space<vmem>>
      %dma_start3A_106 = arith.constant 0 : i32
      %dma_start3A_107 = arith.constant 0 : i32
      %dma_start3A_108 = tpu.memref_slice %arg2[%dma_start3A_106, %dma_start3A_107] : memref<2048x128xi32, #tpu.memory_space<hbm>> -> memref<2048x128xi32, #tpu.memory_space<hbm>>
      tpu.enqueue_indirect_dma source(%dma_start3A_108 : memref<2048x128xi32, #tpu.memory_space<hbm>>) target(%arg12 : memref<64x128xi32, #tpu.memory_space<vmem>>) offsets(%dma_start3A_105 : memref<64xi32, #tpu.memory_space<vmem>>) semaphore(%arg17 : memref<!tpu.dma_semaphore, #tpu.memory_space<semaphore_mem>>)
      %mul3A_109 = arith.constant 64 : i32
      %mul3A_110 = arith.muli %add3A_84, %mul3A_109 : i32
      %add3A_111 = arith.constant 9408 : i32
      %add3A_112 = arith.addi %add3A_111, %mul3A_110 : i32
      %dma_start3A_113 = tpu.memref_slice %arg5[%add3A_112] : memref<12544xi32, #tpu.memory_space<vmem>> -> memref<64xi32, #tpu.memory_space<vmem>>
      %dma_start3A_114 = arith.constant 0 : i32
      %dma_start3A_115 = arith.constant 0 : i32
      %dma_start3A_116 = tpu.memref_slice %arg2[%dma_start3A_114, %dma_start3A_115] : memref<2048x128xi32, #tpu.memory_space<hbm>> -> memref<2048x128xi32, #tpu.memory_space<hbm>>
      tpu.enqueue_indirect_dma source(%dma_start3A_116 : memref<2048x128xi32, #tpu.memory_space<hbm>>) target(%arg13 : memref<64x128xi32, #tpu.memory_space<vmem>>) offsets(%dma_start3A_113 : memref<64xi32, #tpu.memory_space<vmem>>) semaphore(%arg17 : memref<!tpu.dma_semaphore, #tpu.memory_space<semaphore_mem>>)
      %mul3A_117 = arith.constant 64 : i32
      %mul3A_118 = arith.muli %add3A_82, %mul3A_117 : i32
      %add3A_119 = arith.constant 0 : i32
      %add3A_120 = arith.addi %add3A_119, %mul3A_118 : i32
      %dma_wait3A_121 = tpu.memref_slice %arg5[%add3A_120] : memref<12544xi32, #tpu.memory_space<vmem>> -> memref<64xi32, #tpu.memory_space<vmem>>
      %dma_wait3A_122 = arith.constant 0 : i32
      %dma_wait3A_123 = arith.constant 0 : i32
      %dma_wait3A_124 = tpu.memref_slice %arg2[%dma_wait3A_122, %dma_wait3A_123] : memref<2048x128xi32, #tpu.memory_space<hbm>> -> memref<2048x128xi32, #tpu.memory_space<hbm>>
      tpu.wait_indirect_dma semaphore(%arg16 : memref<!tpu.dma_semaphore, #tpu.memory_space<semaphore_mem>>) src(%dma_wait3A_124 : memref<2048x128xi32, #tpu.memory_space<hbm>>) dst(%arg6 : memref<64x128xi32, #tpu.memory_space<vmem>>)
      %mul3A_125 = arith.constant 64 : i32
      %mul3A_126 = arith.muli %add3A_82, %mul3A_125 : i32
      %add3A_127 = arith.constant 3136 : i32
      %add3A_128 = arith.addi %add3A_127, %mul3A_126 : i32
      %dma_wait3A_129 = tpu.memref_slice %arg5[%add3A_128] : memref<12544xi32, #tpu.memory_space<vmem>> -> memref<64xi32, #tpu.memory_space<vmem>>
      %dma_wait3A_130 = arith.constant 0 : i32
      %dma_wait3A_131 = arith.constant 0 : i32
      %dma_wait3A_132 = tpu.memref_slice %arg2[%dma_wait3A_130, %dma_wait3A_131] : memref<2048x128xi32, #tpu.memory_space<hbm>> -> memref<2048x128xi32, #tpu.memory_space<hbm>>
      tpu.wait_indirect_dma semaphore(%arg16 : memref<!tpu.dma_semaphore, #tpu.memory_space<semaphore_mem>>) src(%dma_wait3A_132 : memref<2048x128xi32, #tpu.memory_space<hbm>>) dst(%arg7 : memref<64x128xi32, #tpu.memory_space<vmem>>)
      %mul3A_133 = arith.constant 64 : i32
      %mul3A_134 = arith.muli %add3A_82, %mul3A_133 : i32
      %add3A_135 = arith.constant 6272 : i32
      %add3A_136 = arith.addi %add3A_135, %mul3A_134 : i32
      %dma_wait3A_137 = tpu.memref_slice %arg5[%add3A_136] : memref<12544xi32, #tpu.memory_space<vmem>> -> memref<64xi32, #tpu.memory_space<vmem>>
      %dma_wait3A_138 = arith.constant 0 : i32
      %dma_wait3A_139 = arith.constant 0 : i32
      %dma_wait3A_140 = tpu.memref_slice %arg2[%dma_wait3A_138, %dma_wait3A_139] : memref<2048x128xi32, #tpu.memory_space<hbm>> -> memref<2048x128xi32, #tpu.memory_space<hbm>>
      tpu.wait_indirect_dma semaphore(%arg16 : memref<!tpu.dma_semaphore, #tpu.memory_space<semaphore_mem>>) src(%dma_wait3A_140 : memref<2048x128xi32, #tpu.memory_space<hbm>>) dst(%arg8 : memref<64x128xi32, #tpu.memory_space<vmem>>)
      %mul3A_141 = arith.constant 64 : i32
      %mul3A_142 = arith.muli %add3A_82, %mul3A_141 : i32
      %add3A_143 = arith.constant 9408 : i32
      %add3A_144 = arith.addi %add3A_143, %mul3A_142 : i32
      %dma_wait3A_145 = tpu.memref_slice %arg5[%add3A_144] : memref<12544xi32, #tpu.memory_space<vmem>> -> memref<64xi32, #tpu.memory_space<vmem>>
      %dma_wait3A_146 = arith.constant 0 : i32
      %dma_wait3A_147 = arith.constant 0 : i32
      %dma_wait3A_148 = tpu.memref_slice %arg2[%dma_wait3A_146, %dma_wait3A_147] : memref<2048x128xi32, #tpu.memory_space<hbm>> -> memref<2048x128xi32, #tpu.memory_space<hbm>>
      tpu.wait_indirect_dma semaphore(%arg16 : memref<!tpu.dma_semaphore, #tpu.memory_space<semaphore_mem>>) src(%dma_wait3A_148 : memref<2048x128xi32, #tpu.memory_space<hbm>>) dst(%arg9 : memref<64x128xi32, #tpu.memory_space<vmem>>)
      %ge3A = arith.constant 2 : i32
      %ge3A_149 = arith.cmpi sge, %add3A_82, %ge3A : i32
      %convert_element_type3A = arith.extui %ge3A_149 : i1 to i32
      %cond3A = arith.constant 0 : i32
      %cond3A_150 = arith.cmpi ne, %convert_element_type3A, %cond3A : i32
      scf.if %cond3A_150 {
        %dma_wait3A_248 = arith.constant 0 : i32
        %dma_wait3A_249 = tpu.memref_slice %arg4[%mul3A_2, %dma_wait3A_248] : memref<100352x128xi32, #tpu.memory_space<hbm>> -> memref<64x128xi32, #tpu.memory_space<hbm>>
        %dma_wait3A_250 = arith.constant 0 : i32
        %dma_wait3A_251 = tpu.memref_slice %arg4[%mul3A_2, %dma_wait3A_250] : memref<100352x128xi32, #tpu.memory_space<hbm>> -> memref<64x128xi32, #tpu.memory_space<hbm>>
        tpu.wait_dma2 semaphore(%arg18 : memref<!tpu.dma_semaphore, #tpu.memory_space<semaphore_mem>>) src(%arg14 : memref<64x128xi32, #tpu.memory_space<vmem>>) dst(%dma_wait3A_251 : memref<64x128xi32, #tpu.memory_space<hbm>>)
      } else {
      }
      %scan3A_151 = arith.constant 0 : i32
      %scan3A_152 = arith.constant 64 : i32
      %scan3A_153 = arith.addi %scan3A_151, %scan3A_152 : i32
      %scan3A_154 = arith.constant 1 : i32
      scf.for %scan3A_248 = %scan3A_151 to %scan3A_153 step %scan3A_154  : i32 {
        %mul3A_249 = arith.constant 1 : i32
        %mul3A_250 = arith.muli %scan3A_248, %mul3A_249 : i32
        %add3A_251 = arith.constant 0 : i32
        %add3A_252 = arith.addi %add3A_251, %mul3A_250 : i32
        %get3A = arith.index_cast %add3A_252 : i32 to index
        %get3A_253 = arith.constant 0 : index
        %get3A_254 = tpu.vector_load %arg6[%get3A, %get3A_253] {strides = array<i32>} : memref<64x128xi32, #tpu.memory_space<vmem>>, vector<16xi32>,
        %bitcast3A = vector.bitcast %get3A_254 : vector<16xi32> to vector<32xbf16>
        %get3A_255 = arith.index_cast %add3A_252 : i32 to index
        %get3A_256 = arith.constant 0 : index
        %get3A_257 = tpu.vector_load %arg7[%get3A_255, %get3A_256] {strides = array<i32>} : memref<64x128xi32, #tpu.memory_space<vmem>>, vector<16xi32>,
        %bitcast3A_258 = vector.bitcast %get3A_257 : vector<16xi32> to vector<32xbf16>
        %add3A_259 = arith.addf %bitcast3A, %bitcast3A_258 : vector<32xbf16>
        %get3A_260 = arith.index_cast %add3A_252 : i32 to index
        %get3A_261 = arith.constant 0 : index
        %get3A_262 = tpu.vector_load %arg8[%get3A_260, %get3A_261] {strides = array<i32>} : memref<64x128xi32, #tpu.memory_space<vmem>>, vector<16xi32>,
        %bitcast3A_263 = vector.bitcast %get3A_262 : vector<16xi32> to vector<32xbf16>
        %add3A_264 = arith.addf %add3A_259, %bitcast3A_263 : vector<32xbf16>
        %get3A_265 = arith.index_cast %add3A_252 : i32 to index
        %get3A_266 = arith.constant 0 : index
        %get3A_267 = tpu.vector_load %arg9[%get3A_265, %get3A_266] {strides = array<i32>} : memref<64x128xi32, #tpu.memory_space<vmem>>, vector<16xi32>,
        %bitcast3A_268 = vector.bitcast %get3A_267 : vector<16xi32> to vector<32xbf16>
        %add3A_269 = arith.addf %add3A_264, %bitcast3A_268 : vector<32xbf16>
        %bitcast3A_270 = vector.bitcast %add3A_269 : vector<32xbf16> to vector<16xi32>
        %swap3A = arith.index_cast %add3A_252 : i32 to index
        %swap3A_271 = arith.constant 0 : index
        %swap3A_272 = tpu.vector_load %arg14[%swap3A, %swap3A_271] {strides = array<i32>} : memref<64x128xi32, #tpu.memory_space<vmem>>, vector<16xi32>,
        tpu.vector_store %arg14[%swap3A, %swap3A_271], %bitcast3A_270 {strides = array<i32>} : memref<64x128xi32, #tpu.memory_space<vmem>>, vector<16xi32>,
        %get3A_273 = arith.index_cast %add3A_252 : i32 to index
        %get3A_274 = arith.constant 16 : index
        %get3A_275 = tpu.vector_load %arg6[%get3A_273, %get3A_274] {strides = array<i32>} : memref<64x128xi32, #tpu.memory_space<vmem>>, vector<16xi32>,
        %bitcast3A_276 = vector.bitcast %get3A_275 : vector<16xi32> to vector<32xbf16>
        %get3A_277 = arith.index_cast %add3A_252 : i32 to index
        %get3A_278 = arith.constant 16 : index
        %get3A_279 = tpu.vector_load %arg7[%get3A_277, %get3A_278] {strides = array<i32>} : memref<64x128xi32, #tpu.memory_space<vmem>>, vector<16xi32>,
        %bitcast3A_280 = vector.bitcast %get3A_279 : vector<16xi32> to vector<32xbf16>
        %add3A_281 = arith.addf %bitcast3A_276, %bitcast3A_280 : vector<32xbf16>
        %get3A_282 = arith.index_cast %add3A_252 : i32 to index
        %get3A_283 = arith.constant 16 : index
        %get3A_284 = tpu.vector_load %arg8[%get3A_282, %get3A_283] {strides = array<i32>} : memref<64x128xi32, #tpu.memory_space<vmem>>, vector<16xi32>,
        %bitcast3A_285 = vector.bitcast %get3A_284 : vector<16xi32> to vector<32xbf16>
        %add3A_286 = arith.addf %add3A_281, %bitcast3A_285 : vector<32xbf16>
        %get3A_287 = arith.index_cast %add3A_252 : i32 to index
        %get3A_288 = arith.constant 16 : index
        %get3A_289 = tpu.vector_load %arg9[%get3A_287, %get3A_288] {strides = array<i32>} : memref<64x128xi32, #tpu.memory_space<vmem>>, vector<16xi32>,
        %bitcast3A_290 = vector.bitcast %get3A_289 : vector<16xi32> to vector<32xbf16>
        %add3A_291 = arith.addf %add3A_286, %bitcast3A_290 : vector<32xbf16>
        %bitcast3A_292 = vector.bitcast %add3A_291 : vector<32xbf16> to vector<16xi32>
        %swap3A_293 = arith.index_cast %add3A_252 : i32 to index
        %swap3A_294 = arith.constant 16 : index
        %swap3A_295 = tpu.vector_load %arg14[%swap3A_293, %swap3A_294] {strides = array<i32>} : memref<64x128xi32, #tpu.memory_space<vmem>>, vector<16xi32>,
        tpu.vector_store %arg14[%swap3A_293, %swap3A_294], %bitcast3A_292 {strides = array<i32>} : memref<64x128xi32, #tpu.memory_space<vmem>>, vector<16xi32>,
        %get3A_296 = arith.index_cast %add3A_252 : i32 to index
        %get3A_297 = arith.constant 32 : index
        %get3A_298 = tpu.vector_load %arg6[%get3A_296, %get3A_297] {strides = array<i32>} : memref<64x128xi32, #tpu.memory_space<vmem>>, vector<16xi32>,
        %bitcast3A_299 = vector.bitcast %get3A_298 : vector<16xi32> to vector<32xbf16>
        %get3A_300 = arith.index_cast %add3A_252 : i32 to index
        %get3A_301 = arith.constant 32 : index
        %get3A_302 = tpu.vector_load %arg7[%get3A_300, %get3A_301] {strides = array<i32>} : memref<64x128xi32, #tpu.memory_space<vmem>>, vector<16xi32>,
        %bitcast3A_303 = vector.bitcast %get3A_302 : vector<16xi32> to vector<32xbf16>
        %add3A_304 = arith.addf %bitcast3A_299, %bitcast3A_303 : vector<32xbf16>
        %get3A_305 = arith.index_cast %add3A_252 : i32 to index
        %get3A_306 = arith.constant 32 : index
        %get3A_307 = tpu.vector_load %arg8[%get3A_305, %get3A_306] {strides = array<i32>} : memref<64x128xi32, #tpu.memory_space<vmem>>, vector<16xi32>,
        %bitcast3A_308 = vector.bitcast %get3A_307 : vector<16xi32> to vector<32xbf16>
        %add3A_309 = arith.addf %add3A_304, %bitcast3A_308 : vector<32xbf16>
        %get3A_310 = arith.index_cast %add3A_252 : i32 to index
        %get3A_311 = arith.constant 32 : index
        %get3A_312 = tpu.vector_load %arg9[%get3A_310, %get3A_311] {strides = array<i32>} : memref<64x128xi32, #tpu.memory_space<vmem>>, vector<16xi32>,
        %bitcast3A_313 = vector.bitcast %get3A_312 : vector<16xi32> to vector<32xbf16>
        %add3A_314 = arith.addf %add3A_309, %bitcast3A_313 : vector<32xbf16>
        %bitcast3A_315 = vector.bitcast %add3A_314 : vector<32xbf16> to vector<16xi32>
        %swap3A_316 = arith.index_cast %add3A_252 : i32 to index
        %swap3A_317 = arith.constant 32 : index
        %swap3A_318 = tpu.vector_load %arg14[%swap3A_316, %swap3A_317] {strides = array<i32>} : memref<64x128xi32, #tpu.memory_space<vmem>>, vector<16xi32>,
        tpu.vector_store %arg14[%swap3A_316, %swap3A_317], %bitcast3A_315 {strides = array<i32>} : memref<64x128xi32, #tpu.memory_space<vmem>>, vector<16xi32>,
        %get3A_319 = arith.index_cast %add3A_252 : i32 to index
        %get3A_320 = arith.constant 48 : index
        %get3A_321 = tpu.vector_load %arg6[%get3A_319, %get3A_320] {strides = array<i32>} : memref<64x128xi32, #tpu.memory_space<vmem>>, vector<16xi32>,
        %bitcast3A_322 = vector.bitcast %get3A_321 : vector<16xi32> to vector<32xbf16>
        %get3A_323 = arith.index_cast %add3A_252 : i32 to index
        %get3A_324 = arith.constant 48 : index
        %get3A_325 = tpu.vector_load %arg7[%get3A_323, %get3A_324] {strides = array<i32>} : memref<64x128xi32, #tpu.memory_space<vmem>>, vector<16xi32>,
        %bitcast3A_326 = vector.bitcast %get3A_325 : vector<16xi32> to vector<32xbf16>
        %add3A_327 = arith.addf %bitcast3A_322, %bitcast3A_326 : vector<32xbf16>
        %get3A_328 = arith.index_cast %add3A_252 : i32 to index
        %get3A_329 = arith.constant 48 : index
        %get3A_330 = tpu.vector_load %arg8[%get3A_328, %get3A_329] {strides = array<i32>} : memref<64x128xi32, #tpu.memory_space<vmem>>, vector<16xi32>,
        %bitcast3A_331 = vector.bitcast %get3A_330 : vector<16xi32> to vector<32xbf16>
        %add3A_332 = arith.addf %add3A_327, %bitcast3A_331 : vector<32xbf16>
        %get3A_333 = arith.index_cast %add3A_252 : i32 to index
        %get3A_334 = arith.constant 48 : index
        %get3A_335 = tpu.vector_load %arg9[%get3A_333, %get3A_334] {strides = array<i32>} : memref<64x128xi32, #tpu.memory_space<vmem>>, vector<16xi32>,
        %bitcast3A_336 = vector.bitcast %get3A_335 : vector<16xi32> to vector<32xbf16>
        %add3A_337 = arith.addf %add3A_332, %bitcast3A_336 : vector<32xbf16>
        %bitcast3A_338 = vector.bitcast %add3A_337 : vector<32xbf16> to vector<16xi32>
        %swap3A_339 = arith.index_cast %add3A_252 : i32 to index
        %swap3A_340 = arith.constant 48 : index
        %swap3A_341 = tpu.vector_load %arg14[%swap3A_339, %swap3A_340] {strides = array<i32>} : memref<64x128xi32, #tpu.memory_space<vmem>>, vector<16xi32>,
        tpu.vector_store %arg14[%swap3A_339, %swap3A_340], %bitcast3A_338 {strides = array<i32>} : memref<64x128xi32, #tpu.memory_space<vmem>>, vector<16xi32>,
        %get3A_342 = arith.index_cast %add3A_252 : i32 to index
        %get3A_343 = arith.constant 64 : index
        %get3A_344 = tpu.vector_load %arg6[%get3A_342, %get3A_343] {strides = array<i32>} : memref<64x128xi32, #tpu.memory_space<vmem>>, vector<16xi32>,
        %bitcast3A_345 = vector.bitcast %get3A_344 : vector<16xi32> to vector<32xbf16>
        %get3A_346 = arith.index_cast %add3A_252 : i32 to index
        %get3A_347 = arith.constant 64 : index
        %get3A_348 = tpu.vector_load %arg7[%get3A_346, %get3A_347] {strides = array<i32>} : memref<64x128xi32, #tpu.memory_space<vmem>>, vector<16xi32>,
        %bitcast3A_349 = vector.bitcast %get3A_348 : vector<16xi32> to vector<32xbf16>
        %add3A_350 = arith.addf %bitcast3A_345, %bitcast3A_349 : vector<32xbf16>
        %get3A_351 = arith.index_cast %add3A_252 : i32 to index
        %get3A_352 = arith.constant 64 : index
        %get3A_353 = tpu.vector_load %arg8[%get3A_351, %get3A_352] {strides = array<i32>} : memref<64x128xi32, #tpu.memory_space<vmem>>, vector<16xi32>,
        %bitcast3A_354 = vector.bitcast %get3A_353 : vector<16xi32> to vector<32xbf16>
        %add3A_355 = arith.addf %add3A_350, %bitcast3A_354 : vector<32xbf16>
        %get3A_356 = arith.index_cast %add3A_252 : i32 to index
        %get3A_357 = arith.constant 64 : index
        %get3A_358 = tpu.vector_load %arg9[%get3A_356, %get3A_357] {strides = array<i32>} : memref<64x128xi32, #tpu.memory_space<vmem>>, vector<16xi32>,
        %bitcast3A_359 = vector.bitcast %get3A_358 : vector<16xi32> to vector<32xbf16>
        %add3A_360 = arith.addf %add3A_355, %bitcast3A_359 : vector<32xbf16>
        %bitcast3A_361 = vector.bitcast %add3A_360 : vector<32xbf16> to vector<16xi32>
        %swap3A_362 = arith.index_cast %add3A_252 : i32 to index
        %swap3A_363 = arith.constant 64 : index
        %swap3A_364 = tpu.vector_load %arg14[%swap3A_362, %swap3A_363] {strides = array<i32>} : memref<64x128xi32, #tpu.memory_space<vmem>>, vector<16xi32>,
        tpu.vector_store %arg14[%swap3A_362, %swap3A_363], %bitcast3A_361 {strides = array<i32>} : memref<64x128xi32, #tpu.memory_space<vmem>>, vector<16xi32>,
        %get3A_365 = arith.index_cast %add3A_252 : i32 to index
        %get3A_366 = arith.constant 80 : index
        %get3A_367 = tpu.vector_load %arg6[%get3A_365, %get3A_366] {strides = array<i32>} : memref<64x128xi32, #tpu.memory_space<vmem>>, vector<16xi32>,
        %bitcast3A_368 = vector.bitcast %get3A_367 : vector<16xi32> to vector<32xbf16>
        %get3A_369 = arith.index_cast %add3A_252 : i32 to index
        %get3A_370 = arith.constant 80 : index
        %get3A_371 = tpu.vector_load %arg7[%get3A_369, %get3A_370] {strides = array<i32>} : memref<64x128xi32, #tpu.memory_space<vmem>>, vector<16xi32>,
        %bitcast3A_372 = vector.bitcast %get3A_371 : vector<16xi32> to vector<32xbf16>
        %add3A_373 = arith.addf %bitcast3A_368, %bitcast3A_372 : vector<32xbf16>
        %get3A_374 = arith.index_cast %add3A_252 : i32 to index
        %get3A_375 = arith.constant 80 : index
        %get3A_376 = tpu.vector_load %arg8[%get3A_374, %get3A_375] {strides = array<i32>} : memref<64x128xi32, #tpu.memory_space<vmem>>, vector<16xi32>,
        %bitcast3A_377 = vector.bitcast %get3A_376 : vector<16xi32> to vector<32xbf16>
        %add3A_378 = arith.addf %add3A_373, %bitcast3A_377 : vector<32xbf16>
        %get3A_379 = arith.index_cast %add3A_252 : i32 to index
        %get3A_380 = arith.constant 80 : index
        %get3A_381 = tpu.vector_load %arg9[%get3A_379, %get3A_380] {strides = array<i32>} : memref<64x128xi32, #tpu.memory_space<vmem>>, vector<16xi32>,
        %bitcast3A_382 = vector.bitcast %get3A_381 : vector<16xi32> to vector<32xbf16>
        %add3A_383 = arith.addf %add3A_378, %bitcast3A_382 : vector<32xbf16>
        %bitcast3A_384 = vector.bitcast %add3A_383 : vector<32xbf16> to vector<16xi32>
        %swap3A_385 = arith.index_cast %add3A_252 : i32 to index
        %swap3A_386 = arith.constant 80 : index
        %swap3A_387 = tpu.vector_load %arg14[%swap3A_385, %swap3A_386] {strides = array<i32>} : memref<64x128xi32, #tpu.memory_space<vmem>>, vector<16xi32>,
        tpu.vector_store %arg14[%swap3A_385, %swap3A_386], %bitcast3A_384 {strides = array<i32>} : memref<64x128xi32, #tpu.memory_space<vmem>>, vector<16xi32>,
        %get3A_388 = arith.index_cast %add3A_252 : i32 to index
        %get3A_389 = arith.constant 96 : index
        %get3A_390 = tpu.vector_load %arg6[%get3A_388, %get3A_389] {strides = array<i32>} : memref<64x128xi32, #tpu.memory_space<vmem>>, vector<16xi32>,
        %bitcast3A_391 = vector.bitcast %get3A_390 : vector<16xi32> to vector<32xbf16>
        %get3A_392 = arith.index_cast %add3A_252 : i32 to index
        %get3A_393 = arith.constant 96 : index
        %get3A_394 = tpu.vector_load %arg7[%get3A_392, %get3A_393] {strides = array<i32>} : memref<64x128xi32, #tpu.memory_space<vmem>>, vector<16xi32>,
        %bitcast3A_395 = vector.bitcast %get3A_394 : vector<16xi32> to vector<32xbf16>
        %add3A_396 = arith.addf %bitcast3A_391, %bitcast3A_395 : vector<32xbf16>
        %get3A_397 = arith.index_cast %add3A_252 : i32 to index
        %get3A_398 = arith.constant 96 : index
        %get3A_399 = tpu.vector_load %arg8[%get3A_397, %get3A_398] {strides = array<i32>} : memref<64x128xi32, #tpu.memory_space<vmem>>, vector<16xi32>,
        %bitcast3A_400 = vector.bitcast %get3A_399 : vector<16xi32> to vector<32xbf16>
        %add3A_401 = arith.addf %add3A_396, %bitcast3A_400 : vector<32xbf16>
        %get3A_402 = arith.index_cast %add3A_252 : i32 to index
        %get3A_403 = arith.constant 96 : index
        %get3A_404 = tpu.vector_load %arg9[%get3A_402, %get3A_403] {strides = array<i32>} : memref<64x128xi32, #tpu.memory_space<vmem>>, vector<16xi32>,
        %bitcast3A_405 = vector.bitcast %get3A_404 : vector<16xi32> to vector<32xbf16>
        %add3A_406 = arith.addf %add3A_401, %bitcast3A_405 : vector<32xbf16>
        %bitcast3A_407 = vector.bitcast %add3A_406 : vector<32xbf16> to vector<16xi32>
        %swap3A_408 = arith.index_cast %add3A_252 : i32 to index
        %swap3A_409 = arith.constant 96 : index
        %swap3A_410 = tpu.vector_load %arg14[%swap3A_408, %swap3A_409] {strides = array<i32>} : memref<64x128xi32, #tpu.memory_space<vmem>>, vector<16xi32>,
        tpu.vector_store %arg14[%swap3A_408, %swap3A_409], %bitcast3A_407 {strides = array<i32>} : memref<64x128xi32, #tpu.memory_space<vmem>>, vector<16xi32>,
        %get3A_411 = arith.index_cast %add3A_252 : i32 to index
        %get3A_412 = arith.constant 112 : index
        %get3A_413 = tpu.vector_load %arg6[%get3A_411, %get3A_412] {strides = array<i32>} : memref<64x128xi32, #tpu.memory_space<vmem>>, vector<16xi32>,
        %bitcast3A_414 = vector.bitcast %get3A_413 : vector<16xi32> to vector<32xbf16>
        %get3A_415 = arith.index_cast %add3A_252 : i32 to index
        %get3A_416 = arith.constant 112 : index
        %get3A_417 = tpu.vector_load %arg7[%get3A_415, %get3A_416] {strides = array<i32>} : memref<64x128xi32, #tpu.memory_space<vmem>>, vector<16xi32>,
        %bitcast3A_418 = vector.bitcast %get3A_417 : vector<16xi32> to vector<32xbf16>
        %add3A_419 = arith.addf %bitcast3A_414, %bitcast3A_418 : vector<32xbf16>
        %get3A_420 = arith.index_cast %add3A_252 : i32 to index
        %get3A_421 = arith.constant 112 : index
        %get3A_422 = tpu.vector_load %arg8[%get3A_420, %get3A_421] {strides = array<i32>} : memref<64x128xi32, #tpu.memory_space<vmem>>, vector<16xi32>,
        %bitcast3A_423 = vector.bitcast %get3A_422 : vector<16xi32> to vector<32xbf16>
        %add3A_424 = arith.addf %add3A_419, %bitcast3A_423 : vector<32xbf16>
        %get3A_425 = arith.index_cast %add3A_252 : i32 to index
        %get3A_426 = arith.constant 112 : index
        %get3A_427 = tpu.vector_load %arg9[%get3A_425, %get3A_426] {strides = array<i32>} : memref<64x128xi32, #tpu.memory_space<vmem>>, vector<16xi32>,
        %bitcast3A_428 = vector.bitcast %get3A_427 : vector<16xi32> to vector<32xbf16>
        %add3A_429 = arith.addf %add3A_424, %bitcast3A_428 : vector<32xbf16>
        %bitcast3A_430 = vector.bitcast %add3A_429 : vector<32xbf16> to vector<16xi32>
        %swap3A_431 = arith.index_cast %add3A_252 : i32 to index
        %swap3A_432 = arith.constant 112 : index
        %swap3A_433 = tpu.vector_load %arg14[%swap3A_431, %swap3A_432] {strides = array<i32>} : memref<64x128xi32, #tpu.memory_space<vmem>>, vector<16xi32>,
        tpu.vector_store %arg14[%swap3A_431, %swap3A_432], %bitcast3A_430 {strides = array<i32>} : memref<64x128xi32, #tpu.memory_space<vmem>>, vector<16xi32>,
      }
      %scan3A_155 = arith.constant 64 : i32
      %mul3A_156 = arith.constant 64 : i32
      %mul3A_157 = arith.muli %add3A_82, %mul3A_156 : i32
      %add3A_158 = arith.addi %mul3A_2, %mul3A_157 : i32
      %dma_start3A_159 = arith.constant 0 : i32
      %dma_start3A_160 = tpu.memref_slice %arg4[%add3A_158, %dma_start3A_159] : memref<100352x128xi32, #tpu.memory_space<hbm>> -> memref<64x128xi32, #tpu.memory_space<hbm>>
      %dma_start3A_161 = arith.constant 0 : i32
      %dma_start3A_162 = tpu.memref_slice %arg4[%add3A_158, %dma_start3A_161] : memref<100352x128xi32, #tpu.memory_space<hbm>> -> memref<64x128xi32, #tpu.memory_space<hbm>>
      tpu.enqueue_dma source(%arg14 : memref<64x128xi32, #tpu.memory_space<vmem>>) target(%dma_start3A_162 : memref<64x128xi32, #tpu.memory_space<hbm>>) target_semaphore(%arg18 : memref<!tpu.dma_semaphore, #tpu.memory_space<semaphore_mem>>)
      %add3A_163 = arith.constant 1 : i32
      %add3A_164 = arith.addi %add3A_80, %add3A_163 : i32
      %add3A_165 = arith.constant 1 : i32
      %add3A_166 = arith.addi %add3A_164, %add3A_165 : i32
      %mul3A_167 = arith.constant 64 : i32
      %mul3A_168 = arith.muli %add3A_166, %mul3A_167 : i32
      %add3A_169 = arith.constant 0 : i32
      %add3A_170 = arith.addi %add3A_169, %mul3A_168 : i32
      %dma_start3A_171 = tpu.memref_slice %arg5[%add3A_170] : memref<12544xi32, #tpu.memory_space<vmem>> -> memref<64xi32, #tpu.memory_space<vmem>>
      %dma_start3A_172 = arith.constant 0 : i32
      %dma_start3A_173 = arith.constant 0 : i32
      %dma_start3A_174 = tpu.memref_slice %arg2[%dma_start3A_172, %dma_start3A_173] : memref<2048x128xi32, #tpu.memory_space<hbm>> -> memref<2048x128xi32, #tpu.memory_space<hbm>>
      tpu.enqueue_indirect_dma source(%dma_start3A_174 : memref<2048x128xi32, #tpu.memory_space<hbm>>) target(%arg6 : memref<64x128xi32, #tpu.memory_space<vmem>>) offsets(%dma_start3A_171 : memref<64xi32, #tpu.memory_space<vmem>>) semaphore(%arg16 : memref<!tpu.dma_semaphore, #tpu.memory_space<semaphore_mem>>)
      %mul3A_175 = arith.constant 64 : i32
      %mul3A_176 = arith.muli %add3A_166, %mul3A_175 : i32
      %add3A_177 = arith.constant 3136 : i32
      %add3A_178 = arith.addi %add3A_177, %mul3A_176 : i32
      %dma_start3A_179 = tpu.memref_slice %arg5[%add3A_178] : memref<12544xi32, #tpu.memory_space<vmem>> -> memref<64xi32, #tpu.memory_space<vmem>>
      %dma_start3A_180 = arith.constant 0 : i32
      %dma_start3A_181 = arith.constant 0 : i32
      %dma_start3A_182 = tpu.memref_slice %arg2[%dma_start3A_180, %dma_start3A_181] : memref<2048x128xi32, #tpu.memory_space<hbm>> -> memref<2048x128xi32, #tpu.memory_space<hbm>>
      tpu.enqueue_indirect_dma source(%dma_start3A_182 : memref<2048x128xi32, #tpu.memory_space<hbm>>) target(%arg7 : memref<64x128xi32, #tpu.memory_space<vmem>>) offsets(%dma_start3A_179 : memref<64xi32, #tpu.memory_space<vmem>>) semaphore(%arg16 : memref<!tpu.dma_semaphore, #tpu.memory_space<semaphore_mem>>)
      %mul3A_183 = arith.constant 64 : i32
      %mul3A_184 = arith.muli %add3A_166, %mul3A_183 : i32
      %add3A_185 = arith.constant 6272 : i32
      %add3A_186 = arith.addi %add3A_185, %mul3A_184 : i32
      %dma_start3A_187 = tpu.memref_slice %arg5[%add3A_186] : memref<12544xi32, #tpu.memory_space<vmem>> -> memref<64xi32, #tpu.memory_space<vmem>>
      %dma_start3A_188 = arith.constant 0 : i32
      %dma_start3A_189 = arith.constant 0 : i32
      %dma_start3A_190 = tpu.memref_slice %arg2[%dma_start3A_188, %dma_start3A_189] : memref<2048x128xi32, #tpu.memory_space<hbm>> -> memref<2048x128xi32, #tpu.memory_space<hbm>>
      tpu.enqueue_indirect_dma source(%dma_start3A_190 : memref<2048x128xi32, #tpu.memory_space<hbm>>) target(%arg8 : memref<64x128xi32, #tpu.memory_space<vmem>>) offsets(%dma_start3A_187 : memref<64xi32, #tpu.memory_space<vmem>>) semaphore(%arg16 : memref<!tpu.dma_semaphore, #tpu.memory_space<semaphore_mem>>)
      %mul3A_191 = arith.constant 64 : i32
      %mul3A_192 = arith.muli %add3A_166, %mul3A_191 : i32
      %add3A_193 = arith.constant 9408 : i32
      %add3A_194 = arith.addi %add3A_193, %mul3A_192 : i32
      %dma_start3A_195 = tpu.memref_slice %arg5[%add3A_194] : memref<12544xi32, #tpu.memory_space<vmem>> -> memref<64xi32, #tpu.memory_space<vmem>>
      %dma_start3A_196 = arith.constant 0 : i32
      %dma_start3A_197 = arith.constant 0 : i32
      %dma_start3A_198 = tpu.memref_slice %arg2[%dma_start3A_196, %dma_start3A_197] : memref<2048x128xi32, #tpu.memory_space<hbm>> -> memref<2048x128xi32, #tpu.memory_space<hbm>>
      tpu.enqueue_indirect_dma source(%dma_start3A_198 : memref<2048x128xi32, #tpu.memory_space<hbm>>) target(%arg9 : memref<64x128xi32, #tpu.memory_space<vmem>>) offsets(%dma_start3A_195 : memref<64xi32, #tpu.memory_space<vmem>>) semaphore(%arg16 : memref<!tpu.dma_semaphore, #tpu.memory_space<semaphore_mem>>)
      %mul3A_199 = arith.constant 64 : i32
      %mul3A_200 = arith.muli %add3A_164, %mul3A_199 : i32
      %add3A_201 = arith.constant 0 : i32
      %add3A_202 = arith.addi %add3A_201, %mul3A_200 : i32
      %dma_wait3A_203 = tpu.memref_slice %arg5[%add3A_202] : memref<12544xi32, #tpu.memory_space<vmem>> -> memref<64xi32, #tpu.memory_space<vmem>>
      %dma_wait3A_204 = arith.constant 0 : i32
      %dma_wait3A_205 = arith.constant 0 : i32
      %dma_wait3A_206 = tpu.memref_slice %arg2[%dma_wait3A_204, %dma_wait3A_205] : memref<2048x128xi32, #tpu.memory_space<hbm>> -> memref<2048x128xi32, #tpu.memory_space<hbm>>
      tpu.wait_indirect_dma semaphore(%arg17 : memref<!tpu.dma_semaphore, #tpu.memory_space<semaphore_mem>>) src(%dma_wait3A_206 : memref<2048x128xi32, #tpu.memory_space<hbm>>) dst(%arg10 : memref<64x128xi32, #tpu.memory_space<vmem>>)
      %mul3A_207 = arith.constant 64 : i32
      %mul3A_208 = arith.muli %add3A_164, %mul3A_207 : i32
      %add3A_209 = arith.constant 3136 : i32
      %add3A_210 = arith.addi %add3A_209, %mul3A_208 : i32
      %dma_wait3A_211 = tpu.memref_slice %arg5[%add3A_210] : memref<12544xi32, #tpu.memory_space<vmem>> -> memref<64xi32, #tpu.memory_space<vmem>>
      %dma_wait3A_212 = arith.constant 0 : i32
      %dma_wait3A_213 = arith.constant 0 : i32
      %dma_wait3A_214 = tpu.memref_slice %arg2[%dma_wait3A_212, %dma_wait3A_213] : memref<2048x128xi32, #tpu.memory_space<hbm>> -> memref<2048x128xi32, #tpu.memory_space<hbm>>
      tpu.wait_indirect_dma semaphore(%arg17 : memref<!tpu.dma_semaphore, #tpu.memory_space<semaphore_mem>>) src(%dma_wait3A_214 : memref<2048x128xi32, #tpu.memory_space<hbm>>) dst(%arg11 : memref<64x128xi32, #tpu.memory_space<vmem>>)
      %mul3A_215 = arith.constant 64 : i32
      %mul3A_216 = arith.muli %add3A_164, %mul3A_215 : i32
      %add3A_217 = arith.constant 6272 : i32
      %add3A_218 = arith.addi %add3A_217, %mul3A_216 : i32
      %dma_wait3A_219 = tpu.memref_slice %arg5[%add3A_218] : memref<12544xi32, #tpu.memory_space<vmem>> -> memref<64xi32, #tpu.memory_space<vmem>>
      %dma_wait3A_220 = arith.constant 0 : i32
      %dma_wait3A_221 = arith.constant 0 : i32
      %dma_wait3A_222 = tpu.memref_slice %arg2[%dma_wait3A_220, %dma_wait3A_221] : memref<2048x128xi32, #tpu.memory_space<hbm>> -> memref<2048x128xi32, #tpu.memory_space<hbm>>
      tpu.wait_indirect_dma semaphore(%arg17 : memref<!tpu.dma_semaphore, #tpu.memory_space<semaphore_mem>>) src(%dma_wait3A_222 : memref<2048x128xi32, #tpu.memory_space<hbm>>) dst(%arg12 : memref<64x128xi32, #tpu.memory_space<vmem>>)
      %mul3A_223 = arith.constant 64 : i32
      %mul3A_224 = arith.muli %add3A_164, %mul3A_223 : i32
      %add3A_225 = arith.constant 9408 : i32
      %add3A_226 = arith.addi %add3A_225, %mul3A_224 : i32
      %dma_wait3A_227 = tpu.memref_slice %arg5[%add3A_226] : memref<12544xi32, #tpu.memory_space<vmem>> -> memref<64xi32, #tpu.memory_space<vmem>>
      %dma_wait3A_228 = arith.constant 0 : i32
      %dma_wait3A_229 = arith.constant 0 : i32
      %dma_wait3A_230 = tpu.memref_slice %arg2[%dma_wait3A_228, %dma_wait3A_229] : memref<2048x128xi32, #tpu.memory_space<hbm>> -> memref<2048x128xi32, #tpu.memory_space<hbm>>
      tpu.wait_indirect_dma semaphore(%arg17 : memref<!tpu.dma_semaphore, #tpu.memory_space<semaphore_mem>>) src(%dma_wait3A_230 : memref<2048x128xi32, #tpu.memory_space<hbm>>) dst(%arg13 : memref<64x128xi32, #tpu.memory_space<vmem>>)
      %ge3A_231 = arith.constant 2 : i32
      %ge3A_232 = arith.cmpi sge, %add3A_164, %ge3A_231 : i32
      %convert_element_type3A_233 = arith.extui %ge3A_232 : i1 to i32
      %cond3A_234 = arith.constant 0 : i32
      %cond3A_235 = arith.cmpi ne, %convert_element_type3A_233, %cond3A_234 : i32
      scf.if %cond3A_235 {
        %dma_wait3A_248 = arith.constant 0 : i32
        %dma_wait3A_249 = tpu.memref_slice %arg4[%mul3A_2, %dma_wait3A_248] : memref<100352x128xi32, #tpu.memory_space<hbm>> -> memref<64x128xi32, #tpu.memory_space<hbm>>
        %dma_wait3A_250 = arith.constant 0 : i32
        %dma_wait3A_251 = tpu.memref_slice %arg4[%mul3A_2, %dma_wait3A_250] : memref<100352x128xi32, #tpu.memory_space<hbm>> -> memref<64x128xi32, #tpu.memory_space<hbm>>
        tpu.wait_dma2 semaphore(%arg19 : memref<!tpu.dma_semaphore, #tpu.memory_space<semaphore_mem>>) src(%arg15 : memref<64x128xi32, #tpu.memory_space<vmem>>) dst(%dma_wait3A_251 : memref<64x128xi32, #tpu.memory_space<hbm>>)
      } else {
      }
      %scan3A_236 = arith.constant 0 : i32
      %scan3A_237 = arith.constant 64 : i32
      %scan3A_238 = arith.addi %scan3A_236, %scan3A_237 : i32
      %scan3A_239 = arith.constant 1 : i32
      scf.for %scan3A_248 = %scan3A_236 to %scan3A_238 step %scan3A_239  : i32 {
        %mul3A_249 = arith.constant 1 : i32
        %mul3A_250 = arith.muli %scan3A_248, %mul3A_249 : i32
        %add3A_251 = arith.constant 0 : i32
        %add3A_252 = arith.addi %add3A_251, %mul3A_250 : i32
        %get3A = arith.index_cast %add3A_252 : i32 to index
        %get3A_253 = arith.constant 0 : index
        %get3A_254 = tpu.vector_load %arg10[%get3A, %get3A_253] {strides = array<i32>} : memref<64x128xi32, #tpu.memory_space<vmem>>, vector<16xi32>,
        %bitcast3A = vector.bitcast %get3A_254 : vector<16xi32> to vector<32xbf16>
        %get3A_255 = arith.index_cast %add3A_252 : i32 to index
        %get3A_256 = arith.constant 0 : index
        %get3A_257 = tpu.vector_load %arg11[%get3A_255, %get3A_256] {strides = array<i32>} : memref<64x128xi32, #tpu.memory_space<vmem>>, vector<16xi32>,
        %bitcast3A_258 = vector.bitcast %get3A_257 : vector<16xi32> to vector<32xbf16>
        %add3A_259 = arith.addf %bitcast3A, %bitcast3A_258 : vector<32xbf16>
        %get3A_260 = arith.index_cast %add3A_252 : i32 to index
        %get3A_261 = arith.constant 0 : index
        %get3A_262 = tpu.vector_load %arg12[%get3A_260, %get3A_261] {strides = array<i32>} : memref<64x128xi32, #tpu.memory_space<vmem>>, vector<16xi32>,
        %bitcast3A_263 = vector.bitcast %get3A_262 : vector<16xi32> to vector<32xbf16>
        %add3A_264 = arith.addf %add3A_259, %bitcast3A_263 : vector<32xbf16>
        %get3A_265 = arith.index_cast %add3A_252 : i32 to index
        %get3A_266 = arith.constant 0 : index
        %get3A_267 = tpu.vector_load %arg13[%get3A_265, %get3A_266] {strides = array<i32>} : memref<64x128xi32, #tpu.memory_space<vmem>>, vector<16xi32>,
        %bitcast3A_268 = vector.bitcast %get3A_267 : vector<16xi32> to vector<32xbf16>
        %add3A_269 = arith.addf %add3A_264, %bitcast3A_268 : vector<32xbf16>
        %bitcast3A_270 = vector.bitcast %add3A_269 : vector<32xbf16> to vector<16xi32>
        %swap3A = arith.index_cast %add3A_252 : i32 to index
        %swap3A_271 = arith.constant 0 : index
        %swap3A_272 = tpu.vector_load %arg15[%swap3A, %swap3A_271] {strides = array<i32>} : memref<64x128xi32, #tpu.memory_space<vmem>>, vector<16xi32>,
        tpu.vector_store %arg15[%swap3A, %swap3A_271], %bitcast3A_270 {strides = array<i32>} : memref<64x128xi32, #tpu.memory_space<vmem>>, vector<16xi32>,
        %get3A_273 = arith.index_cast %add3A_252 : i32 to index
        %get3A_274 = arith.constant 16 : index
        %get3A_275 = tpu.vector_load %arg10[%get3A_273, %get3A_274] {strides = array<i32>} : memref<64x128xi32, #tpu.memory_space<vmem>>, vector<16xi32>,
        %bitcast3A_276 = vector.bitcast %get3A_275 : vector<16xi32> to vector<32xbf16>
        %get3A_277 = arith.index_cast %add3A_252 : i32 to index
        %get3A_278 = arith.constant 16 : index
        %get3A_279 = tpu.vector_load %arg11[%get3A_277, %get3A_278] {strides = array<i32>} : memref<64x128xi32, #tpu.memory_space<vmem>>, vector<16xi32>,
        %bitcast3A_280 = vector.bitcast %get3A_279 : vector<16xi32> to vector<32xbf16>
        %add3A_281 = arith.addf %bitcast3A_276, %bitcast3A_280 : vector<32xbf16>
        %get3A_282 = arith.index_cast %add3A_252 : i32 to index
        %get3A_283 = arith.constant 16 : index
        %get3A_284 = tpu.vector_load %arg12[%get3A_282, %get3A_283] {strides = array<i32>} : memref<64x128xi32, #tpu.memory_space<vmem>>, vector<16xi32>,
        %bitcast3A_285 = vector.bitcast %get3A_284 : vector<16xi32> to vector<32xbf16>
        %add3A_286 = arith.addf %add3A_281, %bitcast3A_285 : vector<32xbf16>
        %get3A_287 = arith.index_cast %add3A_252 : i32 to index
        %get3A_288 = arith.constant 16 : index
        %get3A_289 = tpu.vector_load %arg13[%get3A_287, %get3A_288] {strides = array<i32>} : memref<64x128xi32, #tpu.memory_space<vmem>>, vector<16xi32>,
        %bitcast3A_290 = vector.bitcast %get3A_289 : vector<16xi32> to vector<32xbf16>
        %add3A_291 = arith.addf %add3A_286, %bitcast3A_290 : vector<32xbf16>
        %bitcast3A_292 = vector.bitcast %add3A_291 : vector<32xbf16> to vector<16xi32>
        %swap3A_293 = arith.index_cast %add3A_252 : i32 to index
        %swap3A_294 = arith.constant 16 : index
        %swap3A_295 = tpu.vector_load %arg15[%swap3A_293, %swap3A_294] {strides = array<i32>} : memref<64x128xi32, #tpu.memory_space<vmem>>, vector<16xi32>,
        tpu.vector_store %arg15[%swap3A_293, %swap3A_294], %bitcast3A_292 {strides = array<i32>} : memref<64x128xi32, #tpu.memory_space<vmem>>, vector<16xi32>,
        %get3A_296 = arith.index_cast %add3A_252 : i32 to index
        %get3A_297 = arith.constant 32 : index
        %get3A_298 = tpu.vector_load %arg10[%get3A_296, %get3A_297] {strides = array<i32>} : memref<64x128xi32, #tpu.memory_space<vmem>>, vector<16xi32>,
        %bitcast3A_299 = vector.bitcast %get3A_298 : vector<16xi32> to vector<32xbf16>
        %get3A_300 = arith.index_cast %add3A_252 : i32 to index
        %get3A_301 = arith.constant 32 : index
        %get3A_302 = tpu.vector_load %arg11[%get3A_300, %get3A_301] {strides = array<i32>} : memref<64x128xi32, #tpu.memory_space<vmem>>, vector<16xi32>,
        %bitcast3A_303 = vector.bitcast %get3A_302 : vector<16xi32> to vector<32xbf16>
        %add3A_304 = arith.addf %bitcast3A_299, %bitcast3A_303 : vector<32xbf16>
        %get3A_305 = arith.index_cast %add3A_252 : i32 to index
        %get3A_306 = arith.constant 32 : index
        %get3A_307 = tpu.vector_load %arg12[%get3A_305, %get3A_306] {strides = array<i32>} : memref<64x128xi32, #tpu.memory_space<vmem>>, vector<16xi32>,
        %bitcast3A_308 = vector.bitcast %get3A_307 : vector<16xi32> to vector<32xbf16>
        %add3A_309 = arith.addf %add3A_304, %bitcast3A_308 : vector<32xbf16>
        %get3A_310 = arith.index_cast %add3A_252 : i32 to index
        %get3A_311 = arith.constant 32 : index
        %get3A_312 = tpu.vector_load %arg13[%get3A_310, %get3A_311] {strides = array<i32>} : memref<64x128xi32, #tpu.memory_space<vmem>>, vector<16xi32>,
        %bitcast3A_313 = vector.bitcast %get3A_312 : vector<16xi32> to vector<32xbf16>
        %add3A_314 = arith.addf %add3A_309, %bitcast3A_313 : vector<32xbf16>
        %bitcast3A_315 = vector.bitcast %add3A_314 : vector<32xbf16> to vector<16xi32>
        %swap3A_316 = arith.index_cast %add3A_252 : i32 to index
        %swap3A_317 = arith.constant 32 : index
        %swap3A_318 = tpu.vector_load %arg15[%swap3A_316, %swap3A_317] {strides = array<i32>} : memref<64x128xi32, #tpu.memory_space<vmem>>, vector<16xi32>,
        tpu.vector_store %arg15[%swap3A_316, %swap3A_317], %bitcast3A_315 {strides = array<i32>} : memref<64x128xi32, #tpu.memory_space<vmem>>, vector<16xi32>,
        %get3A_319 = arith.index_cast %add3A_252 : i32 to index
        %get3A_320 = arith.constant 48 : index
        %get3A_321 = tpu.vector_load %arg10[%get3A_319, %get3A_320] {strides = array<i32>} : memref<64x128xi32, #tpu.memory_space<vmem>>, vector<16xi32>,
        %bitcast3A_322 = vector.bitcast %get3A_321 : vector<16xi32> to vector<32xbf16>
        %get3A_323 = arith.index_cast %add3A_252 : i32 to index
        %get3A_324 = arith.constant 48 : index
        %get3A_325 = tpu.vector_load %arg11[%get3A_323, %get3A_324] {strides = array<i32>} : memref<64x128xi32, #tpu.memory_space<vmem>>, vector<16xi32>,
        %bitcast3A_326 = vector.bitcast %get3A_325 : vector<16xi32> to vector<32xbf16>
        %add3A_327 = arith.addf %bitcast3A_322, %bitcast3A_326 : vector<32xbf16>
        %get3A_328 = arith.index_cast %add3A_252 : i32 to index
        %get3A_329 = arith.constant 48 : index
        %get3A_330 = tpu.vector_load %arg12[%get3A_328, %get3A_329] {strides = array<i32>} : memref<64x128xi32, #tpu.memory_space<vmem>>, vector<16xi32>,
        %bitcast3A_331 = vector.bitcast %get3A_330 : vector<16xi32> to vector<32xbf16>
        %add3A_332 = arith.addf %add3A_327, %bitcast3A_331 : vector<32xbf16>
        %get3A_333 = arith.index_cast %add3A_252 : i32 to index
        %get3A_334 = arith.constant 48 : index
        %get3A_335 = tpu.vector_load %arg13[%get3A_333, %get3A_334] {strides = array<i32>} : memref<64x128xi32, #tpu.memory_space<vmem>>, vector<16xi32>,
        %bitcast3A_336 = vector.bitcast %get3A_335 : vector<16xi32> to vector<32xbf16>
        %add3A_337 = arith.addf %add3A_332, %bitcast3A_336 : vector<32xbf16>
        %bitcast3A_338 = vector.bitcast %add3A_337 : vector<32xbf16> to vector<16xi32>
        %swap3A_339 = arith.index_cast %add3A_252 : i32 to index
        %swap3A_340 = arith.constant 48 : index
        %swap3A_341 = tpu.vector_load %arg15[%swap3A_339, %swap3A_340] {strides = array<i32>} : memref<64x128xi32, #tpu.memory_space<vmem>>, vector<16xi32>,
        tpu.vector_store %arg15[%swap3A_339, %swap3A_340], %bitcast3A_338 {strides = array<i32>} : memref<64x128xi32, #tpu.memory_space<vmem>>, vector<16xi32>,
        %get3A_342 = arith.index_cast %add3A_252 : i32 to index
        %get3A_343 = arith.constant 64 : index
        %get3A_344 = tpu.vector_load %arg10[%get3A_342, %get3A_343] {strides = array<i32>} : memref<64x128xi32, #tpu.memory_space<vmem>>, vector<16xi32>,
        %bitcast3A_345 = vector.bitcast %get3A_344 : vector<16xi32> to vector<32xbf16>
        %get3A_346 = arith.index_cast %add3A_252 : i32 to index
        %get3A_347 = arith.constant 64 : index
        %get3A_348 = tpu.vector_load %arg11[%get3A_346, %get3A_347] {strides = array<i32>} : memref<64x128xi32, #tpu.memory_space<vmem>>, vector<16xi32>,
        %bitcast3A_349 = vector.bitcast %get3A_348 : vector<16xi32> to vector<32xbf16>
        %add3A_350 = arith.addf %bitcast3A_345, %bitcast3A_349 : vector<32xbf16>
        %get3A_351 = arith.index_cast %add3A_252 : i32 to index
        %get3A_352 = arith.constant 64 : index
        %get3A_353 = tpu.vector_load %arg12[%get3A_351, %get3A_352] {strides = array<i32>} : memref<64x128xi32, #tpu.memory_space<vmem>>, vector<16xi32>,
        %bitcast3A_354 = vector.bitcast %get3A_353 : vector<16xi32> to vector<32xbf16>
        %add3A_355 = arith.addf %add3A_350, %bitcast3A_354 : vector<32xbf16>
        %get3A_356 = arith.index_cast %add3A_252 : i32 to index
        %get3A_357 = arith.constant 64 : index
        %get3A_358 = tpu.vector_load %arg13[%get3A_356, %get3A_357] {strides = array<i32>} : memref<64x128xi32, #tpu.memory_space<vmem>>, vector<16xi32>,
        %bitcast3A_359 = vector.bitcast %get3A_358 : vector<16xi32> to vector<32xbf16>
        %add3A_360 = arith.addf %add3A_355, %bitcast3A_359 : vector<32xbf16>
        %bitcast3A_361 = vector.bitcast %add3A_360 : vector<32xbf16> to vector<16xi32>
        %swap3A_362 = arith.index_cast %add3A_252 : i32 to index
        %swap3A_363 = arith.constant 64 : index
        %swap3A_364 = tpu.vector_load %arg15[%swap3A_362, %swap3A_363] {strides = array<i32>} : memref<64x128xi32, #tpu.memory_space<vmem>>, vector<16xi32>,
        tpu.vector_store %arg15[%swap3A_362, %swap3A_363], %bitcast3A_361 {strides = array<i32>} : memref<64x128xi32, #tpu.memory_space<vmem>>, vector<16xi32>,
        %get3A_365 = arith.index_cast %add3A_252 : i32 to index
        %get3A_366 = arith.constant 80 : index
        %get3A_367 = tpu.vector_load %arg10[%get3A_365, %get3A_366] {strides = array<i32>} : memref<64x128xi32, #tpu.memory_space<vmem>>, vector<16xi32>,
        %bitcast3A_368 = vector.bitcast %get3A_367 : vector<16xi32> to vector<32xbf16>
        %get3A_369 = arith.index_cast %add3A_252 : i32 to index
        %get3A_370 = arith.constant 80 : index
        %get3A_371 = tpu.vector_load %arg11[%get3A_369, %get3A_370] {strides = array<i32>} : memref<64x128xi32, #tpu.memory_space<vmem>>, vector<16xi32>,
        %bitcast3A_372 = vector.bitcast %get3A_371 : vector<16xi32> to vector<32xbf16>
        %add3A_373 = arith.addf %bitcast3A_368, %bitcast3A_372 : vector<32xbf16>
        %get3A_374 = arith.index_cast %add3A_252 : i32 to index
        %get3A_375 = arith.constant 80 : index
        %get3A_376 = tpu.vector_load %arg12[%get3A_374, %get3A_375] {strides = array<i32>} : memref<64x128xi32, #tpu.memory_space<vmem>>, vector<16xi32>,
        %bitcast3A_377 = vector.bitcast %get3A_376 : vector<16xi32> to vector<32xbf16>
        %add3A_378 = arith.addf %add3A_373, %bitcast3A_377 : vector<32xbf16>
        %get3A_379 = arith.index_cast %add3A_252 : i32 to index
        %get3A_380 = arith.constant 80 : index
        %get3A_381 = tpu.vector_load %arg13[%get3A_379, %get3A_380] {strides = array<i32>} : memref<64x128xi32, #tpu.memory_space<vmem>>, vector<16xi32>,
        %bitcast3A_382 = vector.bitcast %get3A_381 : vector<16xi32> to vector<32xbf16>
        %add3A_383 = arith.addf %add3A_378, %bitcast3A_382 : vector<32xbf16>
        %bitcast3A_384 = vector.bitcast %add3A_383 : vector<32xbf16> to vector<16xi32>
        %swap3A_385 = arith.index_cast %add3A_252 : i32 to index
        %swap3A_386 = arith.constant 80 : index
        %swap3A_387 = tpu.vector_load %arg15[%swap3A_385, %swap3A_386] {strides = array<i32>} : memref<64x128xi32, #tpu.memory_space<vmem>>, vector<16xi32>,
        tpu.vector_store %arg15[%swap3A_385, %swap3A_386], %bitcast3A_384 {strides = array<i32>} : memref<64x128xi32, #tpu.memory_space<vmem>>, vector<16xi32>,
        %get3A_388 = arith.index_cast %add3A_252 : i32 to index
        %get3A_389 = arith.constant 96 : index
        %get3A_390 = tpu.vector_load %arg10[%get3A_388, %get3A_389] {strides = array<i32>} : memref<64x128xi32, #tpu.memory_space<vmem>>, vector<16xi32>,
        %bitcast3A_391 = vector.bitcast %get3A_390 : vector<16xi32> to vector<32xbf16>
        %get3A_392 = arith.index_cast %add3A_252 : i32 to index
        %get3A_393 = arith.constant 96 : index
        %get3A_394 = tpu.vector_load %arg11[%get3A_392, %get3A_393] {strides = array<i32>} : memref<64x128xi32, #tpu.memory_space<vmem>>, vector<16xi32>,
        %bitcast3A_395 = vector.bitcast %get3A_394 : vector<16xi32> to vector<32xbf16>
        %add3A_396 = arith.addf %bitcast3A_391, %bitcast3A_395 : vector<32xbf16>
        %get3A_397 = arith.index_cast %add3A_252 : i32 to index
        %get3A_398 = arith.constant 96 : index
        %get3A_399 = tpu.vector_load %arg12[%get3A_397, %get3A_398] {strides = array<i32>} : memref<64x128xi32, #tpu.memory_space<vmem>>, vector<16xi32>,
        %bitcast3A_400 = vector.bitcast %get3A_399 : vector<16xi32> to vector<32xbf16>
        %add3A_401 = arith.addf %add3A_396, %bitcast3A_400 : vector<32xbf16>
        %get3A_402 = arith.index_cast %add3A_252 : i32 to index
        %get3A_403 = arith.constant 96 : index
        %get3A_404 = tpu.vector_load %arg13[%get3A_402, %get3A_403] {strides = array<i32>} : memref<64x128xi32, #tpu.memory_space<vmem>>, vector<16xi32>,
        %bitcast3A_405 = vector.bitcast %get3A_404 : vector<16xi32> to vector<32xbf16>
        %add3A_406 = arith.addf %add3A_401, %bitcast3A_405 : vector<32xbf16>
        %bitcast3A_407 = vector.bitcast %add3A_406 : vector<32xbf16> to vector<16xi32>
        %swap3A_408 = arith.index_cast %add3A_252 : i32 to index
        %swap3A_409 = arith.constant 96 : index
        %swap3A_410 = tpu.vector_load %arg15[%swap3A_408, %swap3A_409] {strides = array<i32>} : memref<64x128xi32, #tpu.memory_space<vmem>>, vector<16xi32>,
        tpu.vector_store %arg15[%swap3A_408, %swap3A_409], %bitcast3A_407 {strides = array<i32>} : memref<64x128xi32, #tpu.memory_space<vmem>>, vector<16xi32>,
        %get3A_411 = arith.index_cast %add3A_252 : i32 to index
        %get3A_412 = arith.constant 112 : index
        %get3A_413 = tpu.vector_load %arg10[%get3A_411, %get3A_412] {strides = array<i32>} : memref<64x128xi32, #tpu.memory_space<vmem>>, vector<16xi32>,
        %bitcast3A_414 = vector.bitcast %get3A_413 : vector<16xi32> to vector<32xbf16>
        %get3A_415 = arith.index_cast %add3A_252 : i32 to index
        %get3A_416 = arith.constant 112 : index
        %get3A_417 = tpu.vector_load %arg11[%get3A_415, %get3A_416] {strides = array<i32>} : memref<64x128xi32, #tpu.memory_space<vmem>>, vector<16xi32>,
        %bitcast3A_418 = vector.bitcast %get3A_417 : vector<16xi32> to vector<32xbf16>
        %add3A_419 = arith.addf %bitcast3A_414, %bitcast3A_418 : vector<32xbf16>
        %get3A_420 = arith.index_cast %add3A_252 : i32 to index
        %get3A_421 = arith.constant 112 : index
        %get3A_422 = tpu.vector_load %arg12[%get3A_420, %get3A_421] {strides = array<i32>} : memref<64x128xi32, #tpu.memory_space<vmem>>, vector<16xi32>,
        %bitcast3A_423 = vector.bitcast %get3A_422 : vector<16xi32> to vector<32xbf16>
        %add3A_424 = arith.addf %add3A_419, %bitcast3A_423 : vector<32xbf16>
        %get3A_425 = arith.index_cast %add3A_252 : i32 to index
        %get3A_426 = arith.constant 112 : index
        %get3A_427 = tpu.vector_load %arg13[%get3A_425, %get3A_426] {strides = array<i32>} : memref<64x128xi32, #tpu.memory_space<vmem>>, vector<16xi32>,
        %bitcast3A_428 = vector.bitcast %get3A_427 : vector<16xi32> to vector<32xbf16>
        %add3A_429 = arith.addf %add3A_424, %bitcast3A_428 : vector<32xbf16>
        %bitcast3A_430 = vector.bitcast %add3A_429 : vector<32xbf16> to vector<16xi32>
        %swap3A_431 = arith.index_cast %add3A_252 : i32 to index
        %swap3A_432 = arith.constant 112 : index
        %swap3A_433 = tpu.vector_load %arg15[%swap3A_431, %swap3A_432] {strides = array<i32>} : memref<64x128xi32, #tpu.memory_space<vmem>>, vector<16xi32>,
        tpu.vector_store %arg15[%swap3A_431, %swap3A_432], %bitcast3A_430 {strides = array<i32>} : memref<64x128xi32, #tpu.memory_space<vmem>>, vector<16xi32>,
      }
      %scan3A_240 = arith.constant 64 : i32
      %mul3A_241 = arith.constant 64 : i32
      %mul3A_242 = arith.muli %add3A_164, %mul3A_241 : i32
      %add3A_243 = arith.addi %mul3A_2, %mul3A_242 : i32
      %dma_start3A_244 = arith.constant 0 : i32
      %dma_start3A_245 = tpu.memref_slice %arg4[%add3A_243, %dma_start3A_244] : memref<100352x128xi32, #tpu.memory_space<hbm>> -> memref<64x128xi32, #tpu.memory_space<hbm>>
      %dma_start3A_246 = arith.constant 0 : i32
      %dma_start3A_247 = tpu.memref_slice %arg4[%add3A_243, %dma_start3A_246] : memref<100352x128xi32, #tpu.memory_space<hbm>> -> memref<64x128xi32, #tpu.memory_space<hbm>>
      tpu.enqueue_dma source(%arg15 : memref<64x128xi32, #tpu.memory_space<vmem>>) target(%dma_start3A_247 : memref<64x128xi32, #tpu.memory_space<hbm>>) target_semaphore(%arg19 : memref<!tpu.dma_semaphore, #tpu.memory_space<semaphore_mem>>)
    }
    %scan3A_33 = arith.constant 24 : i32
    %dma_wait3A = arith.constant 3072 : i32
    %dma_wait3A_34 = tpu.memref_slice %arg5[%dma_wait3A] : memref<12544xi32, #tpu.memory_space<vmem>> -> memref<64xi32, #tpu.memory_space<vmem>>
    %dma_wait3A_35 = arith.constant 0 : i32
    %dma_wait3A_36 = arith.constant 0 : i32
    %dma_wait3A_37 = tpu.memref_slice %arg2[%dma_wait3A_35, %dma_wait3A_36] : memref<2048x128xi32, #tpu.memory_space<hbm>> -> memref<2048x128xi32, #tpu.memory_space<hbm>>
    tpu.wait_indirect_dma semaphore(%arg16 : memref<!tpu.dma_semaphore, #tpu.memory_space<semaphore_mem>>) src(%dma_wait3A_37 : memref<2048x128xi32, #tpu.memory_space<hbm>>) dst(%arg6 : memref<64x128xi32, #tpu.memory_space<vmem>>)
    %dma_wait3A_38 = arith.constant 6208 : i32
    %dma_wait3A_39 = tpu.memref_slice %arg5[%dma_wait3A_38] : memref<12544xi32, #tpu.memory_space<vmem>> -> memref<64xi32, #tpu.memory_space<vmem>>
    %dma_wait3A_40 = arith.constant 0 : i32
    %dma_wait3A_41 = arith.constant 0 : i32
    %dma_wait3A_42 = tpu.memref_slice %arg2[%dma_wait3A_40, %dma_wait3A_41] : memref<2048x128xi32, #tpu.memory_space<hbm>> -> memref<2048x128xi32, #tpu.memory_space<hbm>>
    tpu.wait_indirect_dma semaphore(%arg16 : memref<!tpu.dma_semaphore, #tpu.memory_space<semaphore_mem>>) src(%dma_wait3A_42 : memref<2048x128xi32, #tpu.memory_space<hbm>>) dst(%arg7 : memref<64x128xi32, #tpu.memory_space<vmem>>)
    %dma_wait3A_43 = arith.constant 9344 : i32
    %dma_wait3A_44 = tpu.memref_slice %arg5[%dma_wait3A_43] : memref<12544xi32, #tpu.memory_space<vmem>> -> memref<64xi32, #tpu.memory_space<vmem>>
    %dma_wait3A_45 = arith.constant 0 : i32
    %dma_wait3A_46 = arith.constant 0 : i32
    %dma_wait3A_47 = tpu.memref_slice %arg2[%dma_wait3A_45, %dma_wait3A_46] : memref<2048x128xi32, #tpu.memory_space<hbm>> -> memref<2048x128xi32, #tpu.memory_space<hbm>>
    tpu.wait_indirect_dma semaphore(%arg16 : memref<!tpu.dma_semaphore, #tpu.memory_space<semaphore_mem>>) src(%dma_wait3A_47 : memref<2048x128xi32, #tpu.memory_space<hbm>>) dst(%arg8 : memref<64x128xi32, #tpu.memory_space<vmem>>)
    %dma_wait3A_48 = arith.constant 12480 : i32
    %dma_wait3A_49 = tpu.memref_slice %arg5[%dma_wait3A_48] : memref<12544xi32, #tpu.memory_space<vmem>> -> memref<64xi32, #tpu.memory_space<vmem>>
    %dma_wait3A_50 = arith.constant 0 : i32
    %dma_wait3A_51 = arith.constant 0 : i32
    %dma_wait3A_52 = tpu.memref_slice %arg2[%dma_wait3A_50, %dma_wait3A_51] : memref<2048x128xi32, #tpu.memory_space<hbm>> -> memref<2048x128xi32, #tpu.memory_space<hbm>>
    tpu.wait_indirect_dma semaphore(%arg16 : memref<!tpu.dma_semaphore, #tpu.memory_space<semaphore_mem>>) src(%dma_wait3A_52 : memref<2048x128xi32, #tpu.memory_space<hbm>>) dst(%arg9 : memref<64x128xi32, #tpu.memory_space<vmem>>)
    %dma_wait3A_53 = arith.constant 0 : i32
    %dma_wait3A_54 = tpu.memref_slice %arg4[%mul3A_2, %dma_wait3A_53] : memref<100352x128xi32, #tpu.memory_space<hbm>> -> memref<64x128xi32, #tpu.memory_space<hbm>>
    %dma_wait3A_55 = arith.constant 0 : i32
    %dma_wait3A_56 = tpu.memref_slice %arg4[%mul3A_2, %dma_wait3A_55] : memref<100352x128xi32, #tpu.memory_space<hbm>> -> memref<64x128xi32, #tpu.memory_space<hbm>>
    tpu.wait_dma2 semaphore(%arg18 : memref<!tpu.dma_semaphore, #tpu.memory_space<semaphore_mem>>) src(%arg14 : memref<64x128xi32, #tpu.memory_space<vmem>>) dst(%dma_wait3A_56 : memref<64x128xi32, #tpu.memory_space<hbm>>)
    %scan3A_57 = arith.constant 0 : i32
    %scan3A_58 = arith.constant 64 : i32
    %scan3A_59 = arith.addi %scan3A_57, %scan3A_58 : i32
    %scan3A_60 = arith.constant 1 : i32
    scf.for %scan3A_76 = %scan3A_57 to %scan3A_59 step %scan3A_60  : i32 {
      %mul3A_77 = arith.constant 1 : i32
      %mul3A_78 = arith.muli %scan3A_76, %mul3A_77 : i32
      %add3A_79 = arith.constant 0 : i32
      %add3A_80 = arith.addi %add3A_79, %mul3A_78 : i32
      %get3A = arith.index_cast %add3A_80 : i32 to index
      %get3A_81 = arith.constant 0 : index
      %get3A_82 = tpu.vector_load %arg6[%get3A, %get3A_81] {strides = array<i32>} : memref<64x128xi32, #tpu.memory_space<vmem>>, vector<16xi32>,
      %bitcast3A = vector.bitcast %get3A_82 : vector<16xi32> to vector<32xbf16>
      %get3A_83 = arith.index_cast %add3A_80 : i32 to index
      %get3A_84 = arith.constant 0 : index
      %get3A_85 = tpu.vector_load %arg7[%get3A_83, %get3A_84] {strides = array<i32>} : memref<64x128xi32, #tpu.memory_space<vmem>>, vector<16xi32>,
      %bitcast3A_86 = vector.bitcast %get3A_85 : vector<16xi32> to vector<32xbf16>
      %add3A_87 = arith.addf %bitcast3A, %bitcast3A_86 : vector<32xbf16>
      %get3A_88 = arith.index_cast %add3A_80 : i32 to index
      %get3A_89 = arith.constant 0 : index
      %get3A_90 = tpu.vector_load %arg8[%get3A_88, %get3A_89] {strides = array<i32>} : memref<64x128xi32, #tpu.memory_space<vmem>>, vector<16xi32>,
      %bitcast3A_91 = vector.bitcast %get3A_90 : vector<16xi32> to vector<32xbf16>
      %add3A_92 = arith.addf %add3A_87, %bitcast3A_91 : vector<32xbf16>
      %get3A_93 = arith.index_cast %add3A_80 : i32 to index
      %get3A_94 = arith.constant 0 : index
      %get3A_95 = tpu.vector_load %arg9[%get3A_93, %get3A_94] {strides = array<i32>} : memref<64x128xi32, #tpu.memory_space<vmem>>, vector<16xi32>,
      %bitcast3A_96 = vector.bitcast %get3A_95 : vector<16xi32> to vector<32xbf16>
      %add3A_97 = arith.addf %add3A_92, %bitcast3A_96 : vector<32xbf16>
      %bitcast3A_98 = vector.bitcast %add3A_97 : vector<32xbf16> to vector<16xi32>
      %swap3A = arith.index_cast %add3A_80 : i32 to index
      %swap3A_99 = arith.constant 0 : index
      %swap3A_100 = tpu.vector_load %arg14[%swap3A, %swap3A_99] {strides = array<i32>} : memref<64x128xi32, #tpu.memory_space<vmem>>, vector<16xi32>,
      tpu.vector_store %arg14[%swap3A, %swap3A_99], %bitcast3A_98 {strides = array<i32>} : memref<64x128xi32, #tpu.memory_space<vmem>>, vector<16xi32>,
      %get3A_101 = arith.index_cast %add3A_80 : i32 to index
      %get3A_102 = arith.constant 16 : index
      %get3A_103 = tpu.vector_load %arg6[%get3A_101, %get3A_102] {strides = array<i32>} : memref<64x128xi32, #tpu.memory_space<vmem>>, vector<16xi32>,
      %bitcast3A_104 = vector.bitcast %get3A_103 : vector<16xi32> to vector<32xbf16>
      %get3A_105 = arith.index_cast %add3A_80 : i32 to index
      %get3A_106 = arith.constant 16 : index
      %get3A_107 = tpu.vector_load %arg7[%get3A_105, %get3A_106] {strides = array<i32>} : memref<64x128xi32, #tpu.memory_space<vmem>>, vector<16xi32>,
      %bitcast3A_108 = vector.bitcast %get3A_107 : vector<16xi32> to vector<32xbf16>
      %add3A_109 = arith.addf %bitcast3A_104, %bitcast3A_108 : vector<32xbf16>
      %get3A_110 = arith.index_cast %add3A_80 : i32 to index
      %get3A_111 = arith.constant 16 : index
      %get3A_112 = tpu.vector_load %arg8[%get3A_110, %get3A_111] {strides = array<i32>} : memref<64x128xi32, #tpu.memory_space<vmem>>, vector<16xi32>,
      %bitcast3A_113 = vector.bitcast %get3A_112 : vector<16xi32> to vector<32xbf16>
      %add3A_114 = arith.addf %add3A_109, %bitcast3A_113 : vector<32xbf16>
      %get3A_115 = arith.index_cast %add3A_80 : i32 to index
      %get3A_116 = arith.constant 16 : index
      %get3A_117 = tpu.vector_load %arg9[%get3A_115, %get3A_116] {strides = array<i32>} : memref<64x128xi32, #tpu.memory_space<vmem>>, vector<16xi32>,
      %bitcast3A_118 = vector.bitcast %get3A_117 : vector<16xi32> to vector<32xbf16>
      %add3A_119 = arith.addf %add3A_114, %bitcast3A_118 : vector<32xbf16>
      %bitcast3A_120 = vector.bitcast %add3A_119 : vector<32xbf16> to vector<16xi32>
      %swap3A_121 = arith.index_cast %add3A_80 : i32 to index
      %swap3A_122 = arith.constant 16 : index
      %swap3A_123 = tpu.vector_load %arg14[%swap3A_121, %swap3A_122] {strides = array<i32>} : memref<64x128xi32, #tpu.memory_space<vmem>>, vector<16xi32>,
      tpu.vector_store %arg14[%swap3A_121, %swap3A_122], %bitcast3A_120 {strides = array<i32>} : memref<64x128xi32, #tpu.memory_space<vmem>>, vector<16xi32>,
      %get3A_124 = arith.index_cast %add3A_80 : i32 to index
      %get3A_125 = arith.constant 32 : index
      %get3A_126 = tpu.vector_load %arg6[%get3A_124, %get3A_125] {strides = array<i32>} : memref<64x128xi32, #tpu.memory_space<vmem>>, vector<16xi32>,
      %bitcast3A_127 = vector.bitcast %get3A_126 : vector<16xi32> to vector<32xbf16>
      %get3A_128 = arith.index_cast %add3A_80 : i32 to index
      %get3A_129 = arith.constant 32 : index
      %get3A_130 = tpu.vector_load %arg7[%get3A_128, %get3A_129] {strides = array<i32>} : memref<64x128xi32, #tpu.memory_space<vmem>>, vector<16xi32>,
      %bitcast3A_131 = vector.bitcast %get3A_130 : vector<16xi32> to vector<32xbf16>
      %add3A_132 = arith.addf %bitcast3A_127, %bitcast3A_131 : vector<32xbf16>
      %get3A_133 = arith.index_cast %add3A_80 : i32 to index
      %get3A_134 = arith.constant 32 : index
      %get3A_135 = tpu.vector_load %arg8[%get3A_133, %get3A_134] {strides = array<i32>} : memref<64x128xi32, #tpu.memory_space<vmem>>, vector<16xi32>,
      %bitcast3A_136 = vector.bitcast %get3A_135 : vector<16xi32> to vector<32xbf16>
      %add3A_137 = arith.addf %add3A_132, %bitcast3A_136 : vector<32xbf16>
      %get3A_138 = arith.index_cast %add3A_80 : i32 to index
      %get3A_139 = arith.constant 32 : index
      %get3A_140 = tpu.vector_load %arg9[%get3A_138, %get3A_139] {strides = array<i32>} : memref<64x128xi32, #tpu.memory_space<vmem>>, vector<16xi32>,
      %bitcast3A_141 = vector.bitcast %get3A_140 : vector<16xi32> to vector<32xbf16>
      %add3A_142 = arith.addf %add3A_137, %bitcast3A_141 : vector<32xbf16>
      %bitcast3A_143 = vector.bitcast %add3A_142 : vector<32xbf16> to vector<16xi32>
      %swap3A_144 = arith.index_cast %add3A_80 : i32 to index
      %swap3A_145 = arith.constant 32 : index
      %swap3A_146 = tpu.vector_load %arg14[%swap3A_144, %swap3A_145] {strides = array<i32>} : memref<64x128xi32, #tpu.memory_space<vmem>>, vector<16xi32>,
      tpu.vector_store %arg14[%swap3A_144, %swap3A_145], %bitcast3A_143 {strides = array<i32>} : memref<64x128xi32, #tpu.memory_space<vmem>>, vector<16xi32>,
      %get3A_147 = arith.index_cast %add3A_80 : i32 to index
      %get3A_148 = arith.constant 48 : index
      %get3A_149 = tpu.vector_load %arg6[%get3A_147, %get3A_148] {strides = array<i32>} : memref<64x128xi32, #tpu.memory_space<vmem>>, vector<16xi32>,
      %bitcast3A_150 = vector.bitcast %get3A_149 : vector<16xi32> to vector<32xbf16>
      %get3A_151 = arith.index_cast %add3A_80 : i32 to index
      %get3A_152 = arith.constant 48 : index
      %get3A_153 = tpu.vector_load %arg7[%get3A_151, %get3A_152] {strides = array<i32>} : memref<64x128xi32, #tpu.memory_space<vmem>>, vector<16xi32>,
      %bitcast3A_154 = vector.bitcast %get3A_153 : vector<16xi32> to vector<32xbf16>
      %add3A_155 = arith.addf %bitcast3A_150, %bitcast3A_154 : vector<32xbf16>
      %get3A_156 = arith.index_cast %add3A_80 : i32 to index
      %get3A_157 = arith.constant 48 : index
      %get3A_158 = tpu.vector_load %arg8[%get3A_156, %get3A_157] {strides = array<i32>} : memref<64x128xi32, #tpu.memory_space<vmem>>, vector<16xi32>,
      %bitcast3A_159 = vector.bitcast %get3A_158 : vector<16xi32> to vector<32xbf16>
      %add3A_160 = arith.addf %add3A_155, %bitcast3A_159 : vector<32xbf16>
      %get3A_161 = arith.index_cast %add3A_80 : i32 to index
      %get3A_162 = arith.constant 48 : index
      %get3A_163 = tpu.vector_load %arg9[%get3A_161, %get3A_162] {strides = array<i32>} : memref<64x128xi32, #tpu.memory_space<vmem>>, vector<16xi32>,
      %bitcast3A_164 = vector.bitcast %get3A_163 : vector<16xi32> to vector<32xbf16>
      %add3A_165 = arith.addf %add3A_160, %bitcast3A_164 : vector<32xbf16>
      %bitcast3A_166 = vector.bitcast %add3A_165 : vector<32xbf16> to vector<16xi32>
      %swap3A_167 = arith.index_cast %add3A_80 : i32 to index
      %swap3A_168 = arith.constant 48 : index
      %swap3A_169 = tpu.vector_load %arg14[%swap3A_167, %swap3A_168] {strides = array<i32>} : memref<64x128xi32, #tpu.memory_space<vmem>>, vector<16xi32>,
      tpu.vector_store %arg14[%swap3A_167, %swap3A_168], %bitcast3A_166 {strides = array<i32>} : memref<64x128xi32, #tpu.memory_space<vmem>>, vector<16xi32>,
      %get3A_170 = arith.index_cast %add3A_80 : i32 to index
      %get3A_171 = arith.constant 64 : index
      %get3A_172 = tpu.vector_load %arg6[%get3A_170, %get3A_171] {strides = array<i32>} : memref<64x128xi32, #tpu.memory_space<vmem>>, vector<16xi32>,
      %bitcast3A_173 = vector.bitcast %get3A_172 : vector<16xi32> to vector<32xbf16>
      %get3A_174 = arith.index_cast %add3A_80 : i32 to index
      %get3A_175 = arith.constant 64 : index
      %get3A_176 = tpu.vector_load %arg7[%get3A_174, %get3A_175] {strides = array<i32>} : memref<64x128xi32, #tpu.memory_space<vmem>>, vector<16xi32>,
      %bitcast3A_177 = vector.bitcast %get3A_176 : vector<16xi32> to vector<32xbf16>
      %add3A_178 = arith.addf %bitcast3A_173, %bitcast3A_177 : vector<32xbf16>
      %get3A_179 = arith.index_cast %add3A_80 : i32 to index
      %get3A_180 = arith.constant 64 : index
      %get3A_181 = tpu.vector_load %arg8[%get3A_179, %get3A_180] {strides = array<i32>} : memref<64x128xi32, #tpu.memory_space<vmem>>, vector<16xi32>,
      %bitcast3A_182 = vector.bitcast %get3A_181 : vector<16xi32> to vector<32xbf16>
      %add3A_183 = arith.addf %add3A_178, %bitcast3A_182 : vector<32xbf16>
      %get3A_184 = arith.index_cast %add3A_80 : i32 to index
      %get3A_185 = arith.constant 64 : index
      %get3A_186 = tpu.vector_load %arg9[%get3A_184, %get3A_185] {strides = array<i32>} : memref<64x128xi32, #tpu.memory_space<vmem>>, vector<16xi32>,
      %bitcast3A_187 = vector.bitcast %get3A_186 : vector<16xi32> to vector<32xbf16>
      %add3A_188 = arith.addf %add3A_183, %bitcast3A_187 : vector<32xbf16>
      %bitcast3A_189 = vector.bitcast %add3A_188 : vector<32xbf16> to vector<16xi32>
      %swap3A_190 = arith.index_cast %add3A_80 : i32 to index
      %swap3A_191 = arith.constant 64 : index
      %swap3A_192 = tpu.vector_load %arg14[%swap3A_190, %swap3A_191] {strides = array<i32>} : memref<64x128xi32, #tpu.memory_space<vmem>>, vector<16xi32>,
      tpu.vector_store %arg14[%swap3A_190, %swap3A_191], %bitcast3A_189 {strides = array<i32>} : memref<64x128xi32, #tpu.memory_space<vmem>>, vector<16xi32>,
      %get3A_193 = arith.index_cast %add3A_80 : i32 to index
      %get3A_194 = arith.constant 80 : index
      %get3A_195 = tpu.vector_load %arg6[%get3A_193, %get3A_194] {strides = array<i32>} : memref<64x128xi32, #tpu.memory_space<vmem>>, vector<16xi32>,
      %bitcast3A_196 = vector.bitcast %get3A_195 : vector<16xi32> to vector<32xbf16>
      %get3A_197 = arith.index_cast %add3A_80 : i32 to index
      %get3A_198 = arith.constant 80 : index
      %get3A_199 = tpu.vector_load %arg7[%get3A_197, %get3A_198] {strides = array<i32>} : memref<64x128xi32, #tpu.memory_space<vmem>>, vector<16xi32>,
      %bitcast3A_200 = vector.bitcast %get3A_199 : vector<16xi32> to vector<32xbf16>
      %add3A_201 = arith.addf %bitcast3A_196, %bitcast3A_200 : vector<32xbf16>
      %get3A_202 = arith.index_cast %add3A_80 : i32 to index
      %get3A_203 = arith.constant 80 : index
      %get3A_204 = tpu.vector_load %arg8[%get3A_202, %get3A_203] {strides = array<i32>} : memref<64x128xi32, #tpu.memory_space<vmem>>, vector<16xi32>,
      %bitcast3A_205 = vector.bitcast %get3A_204 : vector<16xi32> to vector<32xbf16>
      %add3A_206 = arith.addf %add3A_201, %bitcast3A_205 : vector<32xbf16>
      %get3A_207 = arith.index_cast %add3A_80 : i32 to index
      %get3A_208 = arith.constant 80 : index
      %get3A_209 = tpu.vector_load %arg9[%get3A_207, %get3A_208] {strides = array<i32>} : memref<64x128xi32, #tpu.memory_space<vmem>>, vector<16xi32>,
      %bitcast3A_210 = vector.bitcast %get3A_209 : vector<16xi32> to vector<32xbf16>
      %add3A_211 = arith.addf %add3A_206, %bitcast3A_210 : vector<32xbf16>
      %bitcast3A_212 = vector.bitcast %add3A_211 : vector<32xbf16> to vector<16xi32>
      %swap3A_213 = arith.index_cast %add3A_80 : i32 to index
      %swap3A_214 = arith.constant 80 : index
      %swap3A_215 = tpu.vector_load %arg14[%swap3A_213, %swap3A_214] {strides = array<i32>} : memref<64x128xi32, #tpu.memory_space<vmem>>, vector<16xi32>,
      tpu.vector_store %arg14[%swap3A_213, %swap3A_214], %bitcast3A_212 {strides = array<i32>} : memref<64x128xi32, #tpu.memory_space<vmem>>, vector<16xi32>,
      %get3A_216 = arith.index_cast %add3A_80 : i32 to index
      %get3A_217 = arith.constant 96 : index
      %get3A_218 = tpu.vector_load %arg6[%get3A_216, %get3A_217] {strides = array<i32>} : memref<64x128xi32, #tpu.memory_space<vmem>>, vector<16xi32>,
      %bitcast3A_219 = vector.bitcast %get3A_218 : vector<16xi32> to vector<32xbf16>
      %get3A_220 = arith.index_cast %add3A_80 : i32 to index
      %get3A_221 = arith.constant 96 : index
      %get3A_222 = tpu.vector_load %arg7[%get3A_220, %get3A_221] {strides = array<i32>} : memref<64x128xi32, #tpu.memory_space<vmem>>, vector<16xi32>,
      %bitcast3A_223 = vector.bitcast %get3A_222 : vector<16xi32> to vector<32xbf16>
      %add3A_224 = arith.addf %bitcast3A_219, %bitcast3A_223 : vector<32xbf16>
      %get3A_225 = arith.index_cast %add3A_80 : i32 to index
      %get3A_226 = arith.constant 96 : index
      %get3A_227 = tpu.vector_load %arg8[%get3A_225, %get3A_226] {strides = array<i32>} : memref<64x128xi32, #tpu.memory_space<vmem>>, vector<16xi32>,
      %bitcast3A_228 = vector.bitcast %get3A_227 : vector<16xi32> to vector<32xbf16>
      %add3A_229 = arith.addf %add3A_224, %bitcast3A_228 : vector<32xbf16>
      %get3A_230 = arith.index_cast %add3A_80 : i32 to index
      %get3A_231 = arith.constant 96 : index
      %get3A_232 = tpu.vector_load %arg9[%get3A_230, %get3A_231] {strides = array<i32>} : memref<64x128xi32, #tpu.memory_space<vmem>>, vector<16xi32>,
      %bitcast3A_233 = vector.bitcast %get3A_232 : vector<16xi32> to vector<32xbf16>
      %add3A_234 = arith.addf %add3A_229, %bitcast3A_233 : vector<32xbf16>
      %bitcast3A_235 = vector.bitcast %add3A_234 : vector<32xbf16> to vector<16xi32>
      %swap3A_236 = arith.index_cast %add3A_80 : i32 to index
      %swap3A_237 = arith.constant 96 : index
      %swap3A_238 = tpu.vector_load %arg14[%swap3A_236, %swap3A_237] {strides = array<i32>} : memref<64x128xi32, #tpu.memory_space<vmem>>, vector<16xi32>,
      tpu.vector_store %arg14[%swap3A_236, %swap3A_237], %bitcast3A_235 {strides = array<i32>} : memref<64x128xi32, #tpu.memory_space<vmem>>, vector<16xi32>,
      %get3A_239 = arith.index_cast %add3A_80 : i32 to index
      %get3A_240 = arith.constant 112 : index
      %get3A_241 = tpu.vector_load %arg6[%get3A_239, %get3A_240] {strides = array<i32>} : memref<64x128xi32, #tpu.memory_space<vmem>>, vector<16xi32>,
      %bitcast3A_242 = vector.bitcast %get3A_241 : vector<16xi32> to vector<32xbf16>
      %get3A_243 = arith.index_cast %add3A_80 : i32 to index
      %get3A_244 = arith.constant 112 : index
      %get3A_245 = tpu.vector_load %arg7[%get3A_243, %get3A_244] {strides = array<i32>} : memref<64x128xi32, #tpu.memory_space<vmem>>, vector<16xi32>,
      %bitcast3A_246 = vector.bitcast %get3A_245 : vector<16xi32> to vector<32xbf16>
      %add3A_247 = arith.addf %bitcast3A_242, %bitcast3A_246 : vector<32xbf16>
      %get3A_248 = arith.index_cast %add3A_80 : i32 to index
      %get3A_249 = arith.constant 112 : index
      %get3A_250 = tpu.vector_load %arg8[%get3A_248, %get3A_249] {strides = array<i32>} : memref<64x128xi32, #tpu.memory_space<vmem>>, vector<16xi32>,
      %bitcast3A_251 = vector.bitcast %get3A_250 : vector<16xi32> to vector<32xbf16>
      %add3A_252 = arith.addf %add3A_247, %bitcast3A_251 : vector<32xbf16>
      %get3A_253 = arith.index_cast %add3A_80 : i32 to index
      %get3A_254 = arith.constant 112 : index
      %get3A_255 = tpu.vector_load %arg9[%get3A_253, %get3A_254] {strides = array<i32>} : memref<64x128xi32, #tpu.memory_space<vmem>>, vector<16xi32>,
      %bitcast3A_256 = vector.bitcast %get3A_255 : vector<16xi32> to vector<32xbf16>
      %add3A_257 = arith.addf %add3A_252, %bitcast3A_256 : vector<32xbf16>
      %bitcast3A_258 = vector.bitcast %add3A_257 : vector<32xbf16> to vector<16xi32>
      %swap3A_259 = arith.index_cast %add3A_80 : i32 to index
      %swap3A_260 = arith.constant 112 : index
      %swap3A_261 = tpu.vector_load %arg14[%swap3A_259, %swap3A_260] {strides = array<i32>} : memref<64x128xi32, #tpu.memory_space<vmem>>, vector<16xi32>,
      tpu.vector_store %arg14[%swap3A_259, %swap3A_260], %bitcast3A_258 {strides = array<i32>} : memref<64x128xi32, #tpu.memory_space<vmem>>, vector<16xi32>,
    }
    %scan3A_61 = arith.constant 64 : i32
    %add3A_62 = arith.constant 3072 : i32
    %add3A_63 = arith.addi %mul3A_2, %add3A_62 : i32
    %dma_start3A_64 = arith.constant 0 : i32
    %dma_start3A_65 = tpu.memref_slice %arg4[%add3A_63, %dma_start3A_64] : memref<100352x128xi32, #tpu.memory_space<hbm>> -> memref<64x128xi32, #tpu.memory_space<hbm>>
    %dma_start3A_66 = arith.constant 0 : i32
    %dma_start3A_67 = tpu.memref_slice %arg4[%add3A_63, %dma_start3A_66] : memref<100352x128xi32, #tpu.memory_space<hbm>> -> memref<64x128xi32, #tpu.memory_space<hbm>>
    tpu.enqueue_dma source(%arg14 : memref<64x128xi32, #tpu.memory_space<vmem>>) target(%dma_start3A_67 : memref<64x128xi32, #tpu.memory_space<hbm>>) target_semaphore(%arg18 : memref<!tpu.dma_semaphore, #tpu.memory_space<semaphore_mem>>)
    %dma_wait3A_68 = arith.constant 0 : i32
    %dma_wait3A_69 = tpu.memref_slice %arg4[%mul3A_2, %dma_wait3A_68] : memref<100352x128xi32, #tpu.memory_space<hbm>> -> memref<64x128xi32, #tpu.memory_space<hbm>>
    %dma_wait3A_70 = arith.constant 0 : i32
    %dma_wait3A_71 = tpu.memref_slice %arg4[%mul3A_2, %dma_wait3A_70] : memref<100352x128xi32, #tpu.memory_space<hbm>> -> memref<64x128xi32, #tpu.memory_space<hbm>>
    tpu.wait_dma2 semaphore(%arg18 : memref<!tpu.dma_semaphore, #tpu.memory_space<semaphore_mem>>) src(%arg14 : memref<64x128xi32, #tpu.memory_space<vmem>>) dst(%dma_wait3A_71 : memref<64x128xi32, #tpu.memory_space<hbm>>)
    %dma_wait3A_72 = arith.constant 0 : i32
    %dma_wait3A_73 = tpu.memref_slice %arg4[%mul3A_2, %dma_wait3A_72] : memref<100352x128xi32, #tpu.memory_space<hbm>> -> memref<64x128xi32, #tpu.memory_space<hbm>>
    %dma_wait3A_74 = arith.constant 0 : i32
    %dma_wait3A_75 = tpu.memref_slice %arg4[%mul3A_2, %dma_wait3A_74] : memref<100352x128xi32, #tpu.memory_space<hbm>> -> memref<64x128xi32, #tpu.memory_space<hbm>>
    tpu.wait_dma2 semaphore(%arg19 : memref<!tpu.dma_semaphore, #tpu.memory_space<semaphore_mem>>) src(%arg15 : memref<64x128xi32, #tpu.memory_space<vmem>>) dst(%dma_wait3A_75 : memref<64x128xi32, #tpu.memory_space<hbm>>)
    return
  }
}

module attributes {stable_mosaic.version = 14 : i64} {
  func.func @_logits_body(%arg0: memref<256x512xf32, #tpu.memory_space<vmem>>, %arg1: memref<4x512x128xf32, #tpu.memory_space<vmem>>, %arg2: memref<4x512xf32, #tpu.memory_space<vmem>>, %arg3: memref<4x100352xi32, #tpu.memory_space<vmem>>, %arg4: memref<2048x128xi32, #tpu.memory_space<vmem>>, %arg5: memref<4x100352xi32, #tpu.memory_space<vmem>>) attributes {dimension_semantics = [], scalar_prefetch = 0 : i64, scratch_operands = 0 : i64, tpu.core_type = #tpu.core_type<tc>} {
    %get3A = arith.constant 0 : index
    %get3A_0 = arith.constant 0 : index
    %get3A_1 = vector.load %arg0[%get3A, %get3A_0] : memref<256x512xf32, #tpu.memory_space<vmem>>, vector<256x128xf32>
    %get3A_2 = arith.constant 0 : index
    %get3A_3 = arith.constant 0 : index
    %get3A_4 = arith.constant 0 : index
    %get3A_5 = vector.load %arg1[%get3A_2, %get3A_3, %get3A_4] : memref<4x512x128xf32, #tpu.memory_space<vmem>>, vector<1x512x128xf32>
    %get3A_6 = vector.shape_cast %get3A_5 : vector<1x512x128xf32> to vector<512x128xf32>
    %dot_general3A = arith.constant dense<0.000000e+00> : vector<512x256xf32>
    %dot_general3A_7 = tpu.matmul %get3A_6, %get3A_1, %dot_general3A {dimension_numbers = #tpu.dot_dimension_numbers<[1], [1], [0], [0], [0, 0, 1, 0], [], []>, transpose_lhs_hint = false} : vector<512x128xf32>, vector<256x128xf32>, vector<512x256xf32> -> vector<512x256xf32>
    %get3A_8 = arith.constant 0 : index
    %get3A_9 = arith.constant 0 : index
    %get3A_10 = vector.load %arg2[%get3A_8, %get3A_9] : memref<4x512xf32, #tpu.memory_space<vmem>>, vector<1x512xf32>
    %get3A_11 = vector.shape_cast %get3A_10 : vector<1x512xf32> to vector<512xf32>
    %broadcast_in_dim3A = vector.shape_cast %get3A_11 : vector<512xf32> to vector<512x1xf32>
    %add3A = vector.broadcast %broadcast_in_dim3A : vector<512x1xf32> to vector<512x256xf32>
    %add3A_12 = arith.addf %dot_general3A_7, %add3A : vector<512x256xf32>
    %slice3A = vector.extract_strided_slice %add3A_12 {offsets = [0, 0], sizes = [512, 128], strides = [1, 1]} : vector<512x256xf32> to vector<512x128xf32>
    %convert_element_type3A = arith.truncf %slice3A : vector<512x128xf32> to vector<512x128xbf16>
    %bitcast_convert_type3A = tpu.bitcast %convert_element_type3A : vector<512x128xbf16> -> vector<512x128xi16>
    %convert_element_type3A_13 = arith.extui %bitcast_convert_type3A : vector<512x128xi16> to vector<512x128xi32>
    %slice3A_14 = vector.extract_strided_slice %add3A_12 {offsets = [0, 128], sizes = [512, 128], strides = [1, 1]} : vector<512x256xf32> to vector<512x128xf32>
    %convert_element_type3A_15 = arith.truncf %slice3A_14 : vector<512x128xf32> to vector<512x128xbf16>
    %bitcast_convert_type3A_16 = tpu.bitcast %convert_element_type3A_15 : vector<512x128xbf16> -> vector<512x128xi16>
    %convert_element_type3A_17 = arith.extui %bitcast_convert_type3A_16 : vector<512x128xi16> to vector<512x128xi32>
    %shift_left3A = arith.constant 16 : i32
    %shift_left3A_18 = vector.broadcast %shift_left3A : i32 to vector<512x128xi32>
    %shift_left3A_19 = arith.shli %convert_element_type3A_17, %shift_left3A_18 : vector<512x128xi32>
    %or3A = arith.ori %convert_element_type3A_13, %shift_left3A_19 : vector<512x128xi32>
    %bitcast_convert_type3A_20 = tpu.bitcast %or3A : vector<512x128xi32> -> vector<512x128xi32>
    %swap3A = arith.constant 0 : index
    %swap3A_21 = arith.constant 0 : index
    %swap3A_22 = vector.load %arg4[%swap3A, %swap3A_21] : memref<2048x128xi32, #tpu.memory_space<vmem>>, vector<512x128xi32>
    tpu.vector_store %arg4[%swap3A, %swap3A_21], %bitcast_convert_type3A_20 {strides = array<i32>} : memref<2048x128xi32, #tpu.memory_space<vmem>>, vector<512x128xi32>,
    %get3A_23 = arith.constant 0 : index
    %get3A_24 = arith.constant 0 : index
    %get3A_25 = vector.load %arg3[%get3A_23, %get3A_24] : memref<4x100352xi32, #tpu.memory_space<vmem>>, vector<1x100352xi32>
    %get3A_26 = vector.shape_cast %get3A_25 : vector<1x100352xi32> to vector<100352xi32>
    %add3A_27 = arith.constant 0 : i32
    %add3A_28 = vector.broadcast %add3A_27 : i32 to vector<100352xi32>
    %add3A_29 = arith.addi %get3A_26, %add3A_28 : vector<100352xi32>
    %swap3A_30 = arith.constant 0 : index
    %swap3A_31 = arith.constant 0 : index
    %swap3A_32 = vector.load %arg5[%swap3A_30, %swap3A_31] : memref<4x100352xi32, #tpu.memory_space<vmem>>, vector<1x100352xi32>
    %swap3A_33 = vector.shape_cast %swap3A_32 : vector<1x100352xi32> to vector<100352xi32>
    %swap3A_34 = vector.shape_cast %add3A_29 : vector<100352xi32> to vector<1x100352xi32>
    tpu.vector_store %arg5[%swap3A_30, %swap3A_31], %swap3A_34 {strides = array<i32>} : memref<4x100352xi32, #tpu.memory_space<vmem>>, vector<1x100352xi32>,
    %get3A_35 = arith.constant 0 : index
    %get3A_36 = arith.constant 128 : index
    %get3A_37 = vector.load %arg0[%get3A_35, %get3A_36] : memref<256x512xf32, #tpu.memory_space<vmem>>, vector<256x128xf32>
    %get3A_38 = arith.constant 1 : index
    %get3A_39 = arith.constant 0 : index
    %get3A_40 = arith.constant 0 : index
    %get3A_41 = vector.load %arg1[%get3A_38, %get3A_39, %get3A_40] : memref<4x512x128xf32, #tpu.memory_space<vmem>>, vector<1x512x128xf32>
    %get3A_42 = vector.shape_cast %get3A_41 : vector<1x512x128xf32> to vector<512x128xf32>
    %dot_general3A_43 = arith.constant dense<0.000000e+00> : vector<512x256xf32>
    %dot_general3A_44 = tpu.matmul %get3A_42, %get3A_37, %dot_general3A_43 {dimension_numbers = #tpu.dot_dimension_numbers<[1], [1], [0], [0], [0, 0, 1, 0], [], []>, transpose_lhs_hint = false} : vector<512x128xf32>, vector<256x128xf32>, vector<512x256xf32> -> vector<512x256xf32>
    %get3A_45 = arith.constant 1 : index
    %get3A_46 = arith.constant 0 : index
    %get3A_47 = vector.load %arg2[%get3A_45, %get3A_46] : memref<4x512xf32, #tpu.memory_space<vmem>>, vector<1x512xf32>
    %get3A_48 = vector.shape_cast %get3A_47 : vector<1x512xf32> to vector<512xf32>
    %broadcast_in_dim3A_49 = vector.shape_cast %get3A_48 : vector<512xf32> to vector<512x1xf32>
    %add3A_50 = vector.broadcast %broadcast_in_dim3A_49 : vector<512x1xf32> to vector<512x256xf32>
    %add3A_51 = arith.addf %dot_general3A_44, %add3A_50 : vector<512x256xf32>
    %slice3A_52 = vector.extract_strided_slice %add3A_51 {offsets = [0, 0], sizes = [512, 128], strides = [1, 1]} : vector<512x256xf32> to vector<512x128xf32>
    %convert_element_type3A_53 = arith.truncf %slice3A_52 : vector<512x128xf32> to vector<512x128xbf16>
    %bitcast_convert_type3A_54 = tpu.bitcast %convert_element_type3A_53 : vector<512x128xbf16> -> vector<512x128xi16>
    %convert_element_type3A_55 = arith.extui %bitcast_convert_type3A_54 : vector<512x128xi16> to vector<512x128xi32>
    %slice3A_56 = vector.extract_strided_slice %add3A_51 {offsets = [0, 128], sizes = [512, 128], strides = [1, 1]} : vector<512x256xf32> to vector<512x128xf32>
    %convert_element_type3A_57 = arith.truncf %slice3A_56 : vector<512x128xf32> to vector<512x128xbf16>
    %bitcast_convert_type3A_58 = tpu.bitcast %convert_element_type3A_57 : vector<512x128xbf16> -> vector<512x128xi16>
    %convert_element_type3A_59 = arith.extui %bitcast_convert_type3A_58 : vector<512x128xi16> to vector<512x128xi32>
    %shift_left3A_60 = arith.constant 16 : i32
    %shift_left3A_61 = vector.broadcast %shift_left3A_60 : i32 to vector<512x128xi32>
    %shift_left3A_62 = arith.shli %convert_element_type3A_59, %shift_left3A_61 : vector<512x128xi32>
    %or3A_63 = arith.ori %convert_element_type3A_55, %shift_left3A_62 : vector<512x128xi32>
    %bitcast_convert_type3A_64 = tpu.bitcast %or3A_63 : vector<512x128xi32> -> vector<512x128xi32>
    %swap3A_65 = arith.constant 512 : index
    %swap3A_66 = arith.constant 0 : index
    %swap3A_67 = vector.load %arg4[%swap3A_65, %swap3A_66] : memref<2048x128xi32, #tpu.memory_space<vmem>>, vector<512x128xi32>
    tpu.vector_store %arg4[%swap3A_65, %swap3A_66], %bitcast_convert_type3A_64 {strides = array<i32>} : memref<2048x128xi32, #tpu.memory_space<vmem>>, vector<512x128xi32>,
    %get3A_68 = arith.constant 1 : index
    %get3A_69 = arith.constant 0 : index
    %get3A_70 = vector.load %arg3[%get3A_68, %get3A_69] : memref<4x100352xi32, #tpu.memory_space<vmem>>, vector<1x100352xi32>
    %get3A_71 = vector.shape_cast %get3A_70 : vector<1x100352xi32> to vector<100352xi32>
    %add3A_72 = arith.constant 512 : i32
    %add3A_73 = vector.broadcast %add3A_72 : i32 to vector<100352xi32>
    %add3A_74 = arith.addi %get3A_71, %add3A_73 : vector<100352xi32>
    %swap3A_75 = arith.constant 1 : index
    %swap3A_76 = arith.constant 0 : index
    %swap3A_77 = vector.load %arg5[%swap3A_75, %swap3A_76] : memref<4x100352xi32, #tpu.memory_space<vmem>>, vector<1x100352xi32>
    %swap3A_78 = vector.shape_cast %swap3A_77 : vector<1x100352xi32> to vector<100352xi32>
    %swap3A_79 = vector.shape_cast %add3A_74 : vector<100352xi32> to vector<1x100352xi32>
    tpu.vector_store %arg5[%swap3A_75, %swap3A_76], %swap3A_79 {strides = array<i32>} : memref<4x100352xi32, #tpu.memory_space<vmem>>, vector<1x100352xi32>,
    %get3A_80 = arith.constant 0 : index
    %get3A_81 = arith.constant 256 : index
    %get3A_82 = vector.load %arg0[%get3A_80, %get3A_81] : memref<256x512xf32, #tpu.memory_space<vmem>>, vector<256x128xf32>
    %get3A_83 = arith.constant 2 : index
    %get3A_84 = arith.constant 0 : index
    %get3A_85 = arith.constant 0 : index
    %get3A_86 = vector.load %arg1[%get3A_83, %get3A_84, %get3A_85] : memref<4x512x128xf32, #tpu.memory_space<vmem>>, vector<1x512x128xf32>
    %get3A_87 = vector.shape_cast %get3A_86 : vector<1x512x128xf32> to vector<512x128xf32>
    %dot_general3A_88 = arith.constant dense<0.000000e+00> : vector<512x256xf32>
    %dot_general3A_89 = tpu.matmul %get3A_87, %get3A_82, %dot_general3A_88 {dimension_numbers = #tpu.dot_dimension_numbers<[1], [1], [0], [0], [0, 0, 1, 0], [], []>, transpose_lhs_hint = false} : vector<512x128xf32>, vector<256x128xf32>, vector<512x256xf32> -> vector<512x256xf32>
    %get3A_90 = arith.constant 2 : index
    %get3A_91 = arith.constant 0 : index
    %get3A_92 = vector.load %arg2[%get3A_90, %get3A_91] : memref<4x512xf32, #tpu.memory_space<vmem>>, vector<1x512xf32>
    %get3A_93 = vector.shape_cast %get3A_92 : vector<1x512xf32> to vector<512xf32>
    %broadcast_in_dim3A_94 = vector.shape_cast %get3A_93 : vector<512xf32> to vector<512x1xf32>
    %add3A_95 = vector.broadcast %broadcast_in_dim3A_94 : vector<512x1xf32> to vector<512x256xf32>
    %add3A_96 = arith.addf %dot_general3A_89, %add3A_95 : vector<512x256xf32>
    %slice3A_97 = vector.extract_strided_slice %add3A_96 {offsets = [0, 0], sizes = [512, 128], strides = [1, 1]} : vector<512x256xf32> to vector<512x128xf32>
    %convert_element_type3A_98 = arith.truncf %slice3A_97 : vector<512x128xf32> to vector<512x128xbf16>
    %bitcast_convert_type3A_99 = tpu.bitcast %convert_element_type3A_98 : vector<512x128xbf16> -> vector<512x128xi16>
    %convert_element_type3A_100 = arith.extui %bitcast_convert_type3A_99 : vector<512x128xi16> to vector<512x128xi32>
    %slice3A_101 = vector.extract_strided_slice %add3A_96 {offsets = [0, 128], sizes = [512, 128], strides = [1, 1]} : vector<512x256xf32> to vector<512x128xf32>
    %convert_element_type3A_102 = arith.truncf %slice3A_101 : vector<512x128xf32> to vector<512x128xbf16>
    %bitcast_convert_type3A_103 = tpu.bitcast %convert_element_type3A_102 : vector<512x128xbf16> -> vector<512x128xi16>
    %convert_element_type3A_104 = arith.extui %bitcast_convert_type3A_103 : vector<512x128xi16> to vector<512x128xi32>
    %shift_left3A_105 = arith.constant 16 : i32
    %shift_left3A_106 = vector.broadcast %shift_left3A_105 : i32 to vector<512x128xi32>
    %shift_left3A_107 = arith.shli %convert_element_type3A_104, %shift_left3A_106 : vector<512x128xi32>
    %or3A_108 = arith.ori %convert_element_type3A_100, %shift_left3A_107 : vector<512x128xi32>
    %bitcast_convert_type3A_109 = tpu.bitcast %or3A_108 : vector<512x128xi32> -> vector<512x128xi32>
    %swap3A_110 = arith.constant 1024 : index
    %swap3A_111 = arith.constant 0 : index
    %swap3A_112 = vector.load %arg4[%swap3A_110, %swap3A_111] : memref<2048x128xi32, #tpu.memory_space<vmem>>, vector<512x128xi32>
    tpu.vector_store %arg4[%swap3A_110, %swap3A_111], %bitcast_convert_type3A_109 {strides = array<i32>} : memref<2048x128xi32, #tpu.memory_space<vmem>>, vector<512x128xi32>,
    %get3A_113 = arith.constant 2 : index
    %get3A_114 = arith.constant 0 : index
    %get3A_115 = vector.load %arg3[%get3A_113, %get3A_114] : memref<4x100352xi32, #tpu.memory_space<vmem>>, vector<1x100352xi32>
    %get3A_116 = vector.shape_cast %get3A_115 : vector<1x100352xi32> to vector<100352xi32>
    %add3A_117 = arith.constant 1024 : i32
    %add3A_118 = vector.broadcast %add3A_117 : i32 to vector<100352xi32>
    %add3A_119 = arith.addi %get3A_116, %add3A_118 : vector<100352xi32>
    %swap3A_120 = arith.constant 2 : index
    %swap3A_121 = arith.constant 0 : index
    %swap3A_122 = vector.load %arg5[%swap3A_120, %swap3A_121] : memref<4x100352xi32, #tpu.memory_space<vmem>>, vector<1x100352xi32>
    %swap3A_123 = vector.shape_cast %swap3A_122 : vector<1x100352xi32> to vector<100352xi32>
    %swap3A_124 = vector.shape_cast %add3A_119 : vector<100352xi32> to vector<1x100352xi32>
    tpu.vector_store %arg5[%swap3A_120, %swap3A_121], %swap3A_124 {strides = array<i32>} : memref<4x100352xi32, #tpu.memory_space<vmem>>, vector<1x100352xi32>,
    %get3A_125 = arith.constant 0 : index
    %get3A_126 = arith.constant 384 : index
    %get3A_127 = vector.load %arg0[%get3A_125, %get3A_126] : memref<256x512xf32, #tpu.memory_space<vmem>>, vector<256x128xf32>
    %get3A_128 = arith.constant 3 : index
    %get3A_129 = arith.constant 0 : index
    %get3A_130 = arith.constant 0 : index
    %get3A_131 = vector.load %arg1[%get3A_128, %get3A_129, %get3A_130] : memref<4x512x128xf32, #tpu.memory_space<vmem>>, vector<1x512x128xf32>
    %get3A_132 = vector.shape_cast %get3A_131 : vector<1x512x128xf32> to vector<512x128xf32>
    %dot_general3A_133 = arith.constant dense<0.000000e+00> : vector<512x256xf32>
    %dot_general3A_134 = tpu.matmul %get3A_132, %get3A_127, %dot_general3A_133 {dimension_numbers = #tpu.dot_dimension_numbers<[1], [1], [0], [0], [0, 0, 1, 0], [], []>, transpose_lhs_hint = false} : vector<512x128xf32>, vector<256x128xf32>, vector<512x256xf32> -> vector<512x256xf32>
    %get3A_135 = arith.constant 3 : index
    %get3A_136 = arith.constant 0 : index
    %get3A_137 = vector.load %arg2[%get3A_135, %get3A_136] : memref<4x512xf32, #tpu.memory_space<vmem>>, vector<1x512xf32>
    %get3A_138 = vector.shape_cast %get3A_137 : vector<1x512xf32> to vector<512xf32>
    %broadcast_in_dim3A_139 = vector.shape_cast %get3A_138 : vector<512xf32> to vector<512x1xf32>
    %add3A_140 = vector.broadcast %broadcast_in_dim3A_139 : vector<512x1xf32> to vector<512x256xf32>
    %add3A_141 = arith.addf %dot_general3A_134, %add3A_140 : vector<512x256xf32>
    %slice3A_142 = vector.extract_strided_slice %add3A_141 {offsets = [0, 0], sizes = [512, 128], strides = [1, 1]} : vector<512x256xf32> to vector<512x128xf32>
    %convert_element_type3A_143 = arith.truncf %slice3A_142 : vector<512x128xf32> to vector<512x128xbf16>
    %bitcast_convert_type3A_144 = tpu.bitcast %convert_element_type3A_143 : vector<512x128xbf16> -> vector<512x128xi16>
    %convert_element_type3A_145 = arith.extui %bitcast_convert_type3A_144 : vector<512x128xi16> to vector<512x128xi32>
    %slice3A_146 = vector.extract_strided_slice %add3A_141 {offsets = [0, 128], sizes = [512, 128], strides = [1, 1]} : vector<512x256xf32> to vector<512x128xf32>
    %convert_element_type3A_147 = arith.truncf %slice3A_146 : vector<512x128xf32> to vector<512x128xbf16>
    %bitcast_convert_type3A_148 = tpu.bitcast %convert_element_type3A_147 : vector<512x128xbf16> -> vector<512x128xi16>
    %convert_element_type3A_149 = arith.extui %bitcast_convert_type3A_148 : vector<512x128xi16> to vector<512x128xi32>
    %shift_left3A_150 = arith.constant 16 : i32
    %shift_left3A_151 = vector.broadcast %shift_left3A_150 : i32 to vector<512x128xi32>
    %shift_left3A_152 = arith.shli %convert_element_type3A_149, %shift_left3A_151 : vector<512x128xi32>
    %or3A_153 = arith.ori %convert_element_type3A_145, %shift_left3A_152 : vector<512x128xi32>
    %bitcast_convert_type3A_154 = tpu.bitcast %or3A_153 : vector<512x128xi32> -> vector<512x128xi32>
    %swap3A_155 = arith.constant 1536 : index
    %swap3A_156 = arith.constant 0 : index
    %swap3A_157 = vector.load %arg4[%swap3A_155, %swap3A_156] : memref<2048x128xi32, #tpu.memory_space<vmem>>, vector<512x128xi32>
    tpu.vector_store %arg4[%swap3A_155, %swap3A_156], %bitcast_convert_type3A_154 {strides = array<i32>} : memref<2048x128xi32, #tpu.memory_space<vmem>>, vector<512x128xi32>,
    %get3A_158 = arith.constant 3 : index
    %get3A_159 = arith.constant 0 : index
    %get3A_160 = vector.load %arg3[%get3A_158, %get3A_159] : memref<4x100352xi32, #tpu.memory_space<vmem>>, vector<1x100352xi32>
    %get3A_161 = vector.shape_cast %get3A_160 : vector<1x100352xi32> to vector<100352xi32>
    %add3A_162 = arith.constant 1536 : i32
    %add3A_163 = vector.broadcast %add3A_162 : i32 to vector<100352xi32>
    %add3A_164 = arith.addi %get3A_161, %add3A_163 : vector<100352xi32>
    %swap3A_165 = arith.constant 3 : index
    %swap3A_166 = arith.constant 0 : index
    %swap3A_167 = vector.load %arg5[%swap3A_165, %swap3A_166] : memref<4x100352xi32, #tpu.memory_space<vmem>>, vector<1x100352xi32>
    %swap3A_168 = vector.shape_cast %swap3A_167 : vector<1x100352xi32> to vector<100352xi32>
    %swap3A_169 = vector.shape_cast %add3A_164 : vector<100352xi32> to vector<1x100352xi32>
    tpu.vector_store %arg5[%swap3A_165, %swap3A_166], %swap3A_169 {strides = array<i32>} : memref<4x100352xi32, #tpu.memory_space<vmem>>, vector<1x100352xi32>,
    return
  }
}

module attributes {stable_mosaic.version = 14 : i64} {
  func.func @_finish_body(%arg0: i32, %arg1: memref<2000x128xi32, #tpu.memory_space<vmem>>, %arg2: memref<2000x256xf32, #tpu.memory_space<vmem>>) attributes {dimension_semantics = [#tpu.dimension_semantics<arbitrary>], iteration_bounds = array<i64: 50>, scalar_prefetch = 0 : i64, scratch_operands = 0 : i64, tpu.core_type = #tpu.core_type<tc>, window_params = [{transform_indices = @transform_0, window_bounds = array<i64: 2000, 128>}, {transform_indices = @transform_1, window_bounds = array<i64: 2000, 256>}]} {
    %get3A = arith.constant 0 : index
    %get3A_0 = arith.constant 0 : index
    %get3A_1 = vector.load %arg1[%get3A, %get3A_0] : memref<2000x128xi32, #tpu.memory_space<vmem>>, vector<2000x128xi32>
    %bitcast_convert_type3A = tpu.bitcast %get3A_1 : vector<2000x128xi32> -> vector<2000x128xi32>
    %shift_left3A = arith.constant 16 : i32
    %shift_left3A_2 = vector.broadcast %shift_left3A : i32 to vector<2000x128xi32>
    %shift_left3A_3 = arith.shli %bitcast_convert_type3A, %shift_left3A_2 : vector<2000x128xi32>
    %bitcast_convert_type3A_4 = tpu.bitcast %shift_left3A_3 : vector<2000x128xi32> -> vector<2000x128xf32>
    %and3A = arith.constant -65536 : i32
    %and3A_5 = vector.broadcast %and3A : i32 to vector<2000x128xi32>
    %and3A_6 = arith.andi %bitcast_convert_type3A, %and3A_5 : vector<2000x128xi32>
    %bitcast_convert_type3A_7 = tpu.bitcast %and3A_6 : vector<2000x128xi32> -> vector<2000x128xf32>
    %swap3A = arith.constant 0 : index
    %swap3A_8 = arith.constant 0 : index
    %swap3A_9 = vector.load %arg2[%swap3A, %swap3A_8] : memref<2000x256xf32, #tpu.memory_space<vmem>>, vector<2000x128xf32>
    tpu.vector_store %arg2[%swap3A, %swap3A_8], %bitcast_convert_type3A_4 {strides = array<i32>} : memref<2000x256xf32, #tpu.memory_space<vmem>>, vector<2000x128xf32>,
    %swap3A_10 = arith.constant 0 : index
    %swap3A_11 = arith.constant 128 : index
    %swap3A_12 = vector.load %arg2[%swap3A_10, %swap3A_11] : memref<2000x256xf32, #tpu.memory_space<vmem>>, vector<2000x128xf32>
    tpu.vector_store %arg2[%swap3A_10, %swap3A_11], %bitcast_convert_type3A_7 {strides = array<i32>} : memref<2000x256xf32, #tpu.memory_space<vmem>>, vector<2000x128xf32>,
    return
  }
  func.func @transform_0(%arg0: i32) -> (i32, i32) {
    %c0_i32 = arith.constant 0 : i32
    %c0_i32_0 = arith.constant 0 : i32
    return %arg0, %c0_i32 : i32, i32
  }
  func.func @transform_1(%arg0: i32) -> (i32, i32) {
    %c0_i32 = arith.constant 0 : i32
    %c0_i32_0 = arith.constant 0 : i32
    return %arg0, %c0_i32 : i32, i32
  }
}

</mosaic_0001>

<sc_bundles>
// kernel: kernel.5.cloned.1.call-start
scs
__scs_entry_jumppad:
0x0: {  	(pc) =	sbr.rel $0x88, $3  }
0x1: {  	(tag) =	ssettag $0x0;
	lr =	simm.s32 $0x1  }
0x2: {  	[smem:$0x3F9D] =	sst lr;
	_ =	strace $0xD0000000  }
0x3: {  	_ = 	snop  }
0x4: {  	_ = 	snop  }
0x5: {  	_ = 	snop  }
0x6: {  	_ = 	snop  }
0x7: {  	_ = 	snop  }
__scs_overlays_trampoline_lowered:
0x8: {  	[smem:$0x3FAC] =	sst s0  }
0x9: {  	[smem:$0x3FAD] =	sst s1  }
0xa: {  	[smem:$0x3FAE] =	sst s2  }
0xb: {  	[smem:$0x3FAF] =	sst s3  }
0xc: {  	[smem:$0x3FB0] =	sst s4  }
0xd: {  	[smem:$0x3FB1] =	sst s5  }
0xe: {  	[smem:$0x3FB2] =	sst s6  }
0xf: {  	[smem:$0x3FB3] =	sst s7  }
0x10: {  	[smem:$0x3FB4] =	sst s8  }
0x11: {  	[smem:$0x3FB5] =	sst s9;
	s0 =	simm.s32 @!p0 $0x0  }
0x12: {  	s1 =	sld [smem:$0x3F9B];
	s0 =	simm.s32 @p0 $0x1  }
0x13: {  	[smem:$0x3FB6] =	sst s0;
	s0 =	simm.s32 @!p1 $0x0  }
0x14: {  	s2 =	sld [smem:$0x3F9A];
	s0 =	simm.s32 @p1 $0x1  }
0x15: {  	[smem:$0x3FB7] =	sst s0;
	s0 =	simm.s32 @!p2 $0x0  }
0x16: {  	s3 =	sld [smem:$0x3FDB];
	s0 =	simm.s32 @p2 $0x1  }
0x17: {  	s4 =	simm.s32 $0x1BF5;
	[smem:$0x3FB9] =	sst s0  }
0x18: {  	s0 =	sld [smem:$0x3F9C];
	_ =	swait.ge [sflag:s4], $0x0  }
0x19: {  	s7 =	sld [smem:$0x3F9D]  }
0x1a: {  	s8 =	sadd.s32 $0xFFFFE003, lr  }
0x1b: {  	s9 =	sadd.s32 $0xFFFFFEF7, lr;
	s5 =	simm.s32 $0xFFFFFFFF;
	p2 =	slt.u32 s8, $0xFFFFF086  }
0x1c: {  	p1 =	slt.u32 s9, $0xF7A;
	s5 =	simm.s32 @!p2 $0x0  }
0x1d: {  	s5 =	simm.s32 @p1 $0x1;
	p0 =	seq.s32 s7, s2  }
0x1e: {  	s7 =	smul.u32 @!p0 $0xF7A, s2;
	p2 =	seq.s32 @!p0 s5, $0x0  }
0x1f: {  	s9 =	smul.u32 $0xF7A, s1;
	s8 =	simm.s32 @!p0 $0x1BF5;
	p2 =	por !p2, p0  }
0x20: {  	[sflag:s8] =	ssyncset.s32 @!p0 $0xFFFFF086;
	s6 =	sadd.s32 @!p0 s3, s7;
	s7 =	simm.s32 @!p0 $0x108  }
0x21: {  	s3 =	sadd.s32 s3, s9;
	s6 =	sadd.s32 @!p0 $0x88, s6;
	s7 =	simm.s32 @p2 $0x1082  }
0x22: {  	[simem:s7], [sflag:s8] =	dma.local @!p0 [hbm:s6], $0xF7A  }
0x23: {  	s9 =	sor.u32 $0xD0000000, s2;
	s6 =	simm.s32 $0x108;
	_ =	swait.ge @!p0 [sflag:s8], $0x0  }
0x24: {  	s3 =	sadd.s32 $0x88, s3;
	s6 =	simm.s32 @!p1 $0x1082;
	[sflag:s4] =	ssyncset.s32 $0xFFFFF086  }
0x25: {  	[simem:s6], [sflag:s4] =	dma.local [hbm:s3], $0xF7A  }
0x26: {  	[smem:$0x3F9D] =	sst s1;
	(tag) =	ssettag s2;
	_ =	strace s9  }
0x27: {  	s1 =	sld [smem:$0x3FAD]  }
0x28: {  	s2 =	sld [smem:$0x3FAE]  }
0x29: {  	s4 =	sld [smem:$0x3FB0]  }
0x2a: {  	p0 =	seq.s32 s5, $0x0;
	s5 =	sld [smem:$0x3FB1]  }
0x2b: {  	s6 =	sld [smem:$0x3FB2]  }
0x2c: {  	s7 =	sld [smem:$0x3FB3]  }
0x2d: {  	s3 =	simm.s32 $0x108;
	s8 =	sld [smem:$0x3FB4]  }
0x2e: {  	s3 =	simm.s32 @!p0 $0x1082;
	s9 =	sld [smem:$0x3FB5]  }
0x2f: {  	lr =	sadd.s32 s0, s3;
	s0 =	sld [smem:$0x3FAC]  }
0x30: {  	s3 =	sld [smem:$0x3FAF]  }
0x31: {  	[smem:$0x3FB8] =	sst s10  }
0x32: {  	s10 =	sld [smem:$0x3FB6];
	_ =	sdelay $0x3  }
0x33: {  	p0 =	seq.s32 s10, $0x1;
	s10 =	sld [smem:$0x3FB8];
	_ =	sdelay $0x3  }
0x34: {  	[smem:$0x3FB8] =	sst s10  }
0x35: {  	s10 =	sld [smem:$0x3FB7];
	_ =	sdelay $0x3  }
0x36: {  	p1 =	seq.s32 s10, $0x1;
	s10 =	sld [smem:$0x3FB8];
	_ =	sdelay $0x3  }
0x37: {  	[smem:$0x3FB8] =	sst s10  }
0x38: {  	s10 =	sld [smem:$0x3FB9]  }
0x39: {  	_ = 	snop;
	(pc) =	sbr.ind lr, $3  }
0x3a: {  	_ = 	snop  }
0x3b: {  	_ = 	snop  }
0x3c: {  	p2 =	seq.s32 s10, $0x1;
	s10 =	sld [smem:$0x3FB8]  }
0x3d: {  	_ =	shalt  }
0x3e: {  	_ =	shalt  }
0x3f: {  	_ =	shalt  }
0x40: {  	_ =	shalt  }
0x41: {  	_ =	shalt  }
0x42: {  	_ =	shalt  }
0x43: {  	_ =	shalt  }
0x44: {  	_ =	shalt  }
0x45: {  	_ =	shalt  }
0x46: {  	_ =	shalt  }
0x47: {  	_ =	shalt  }
0x48: {  	_ =	shalt  }
0x49: {  	_ =	shalt  }
0x4a: {  	_ =	shalt  }
0x4b: {  	_ =	shalt  }
0x4c: {  	_ =	shalt  }
0x4d: {  	_ =	shalt  }
0x4e: {  	_ =	shalt  }
0x4f: {  	_ =	shalt  }
0x50: {  	_ =	shalt  }
0x51: {  	_ =	shalt  }
0x52: {  	_ =	shalt  }
0x53: {  	_ =	shalt  }
0x54: {  	_ =	shalt  }
0x55: {  	_ =	shalt  }
0x56: {  	_ =	shalt  }
0x57: {  	_ =	shalt  }
0x58: {  	_ =	shalt  }
0x59: {  	_ =	shalt  }
0x5a: {  	_ =	shalt  }
0x5b: {  	_ =	shalt  }
0x5c: {  	_ =	shalt  }
0x5d: {  	_ =	shalt  }
0x5e: {  	_ =	shalt  }
0x5f: {  	_ =	shalt  }
0x60: {  	_ =	shalt  }
0x61: {  	_ =	shalt  }
0x62: {  	_ =	shalt  }
0x63: {  	_ =	shalt  }
0x64: {  	_ =	shalt  }
0x65: {  	_ =	shalt  }
0x66: {  	_ =	shalt  }
0x67: {  	_ =	shalt  }
0x68: {  	_ =	shalt  }
0x69: {  	_ =	shalt  }
0x6a: {  	_ =	shalt  }
0x6b: {  	_ =	shalt  }
0x6c: {  	_ =	shalt  }
0x6d: {  	_ =	shalt  }
0x6e: {  	_ =	shalt  }
0x6f: {  	_ =	shalt  }
0x70: {  	_ =	shalt  }
0x71: {  	_ =	shalt  }
0x72: {  	_ =	shalt  }
0x73: {  	_ =	shalt  }
0x74: {  	_ =	shalt  }
0x75: {  	_ =	shalt  }
0x76: {  	_ =	shalt  }
0x77: {  	_ =	shalt  }
0x78: {  	_ =	shalt  }
0x79: {  	_ =	shalt  }
0x7a: {  	_ =	shalt  }
0x7b: {  	_ =	shalt  }
0x7c: {  	_ =	shalt  }
0x7d: {  	_ =	shalt  }
0x7e: {  	_ =	shalt  }
0x7f: {  	_ =	shalt  }
0x80: {  	_ =	shalt  }
0x81: {  	_ =	shalt  }
0x82: {  	_ =	shalt  }
0x83: {  	_ =	shalt  }
0x84: {  	_ =	shalt  }
0x85: {  	_ =	shalt  }
0x86: {  	_ =	shalt  }
0x87: {  	_ =	shalt  }
.Lfunc_end0:
.L_simem_size_0:
called_computation_lowered:
.L_overlay_start_0:
0x88: {  	s2 =	sld [smem:$0x3FD9]  }
0x89: {  	s3 =	sld [smem:$0x3FFE];
	_ =	sdelay $0x1  }
0x8a: {  	s1 =	srdreg.scid  }
0x8b: {  	s0 =	sand.u32 $0x1, s1  }
0x8c: {  	s17 =	sshll.u32 s0, $0xA;
	s2 =	sadd.s32 s3, s2  }
0x8d: {  	s2 =	sadd.s32 s2, s17  }
0x8e: {  	[smem:$0x3FC4] =	sst s2  }
0x8f: {  	_ = 	snop  }
0x90: {  	s2 =	sld [smem:$0x3FD0];
	(tm) =	ssettm $0x1  }
0x91: {  	s18 =	sld [smem:$0x3FFB];
	_ =	sdelay $0x3  }
0x92: {  	_ =	strace s18  }
0x93: {  	s3 =	sld [smem:$0x3FFC];
	_ =	sdelay $0x3  }
0x94: {  	_ =	strace s3  }
0x95: {  	s3 =	sld [smem:$0x3FFD];
	_ =	sdelay $0x3  }
0x96: {  	_ =	strace s3  }
0x97: {  	_ =	strace $0x8FFFFFFF  }
0x98: {  	s19 =	sld [smem:$0x3FDB];
	_ =	sdelay $0x1  }
0x99: {  	s4 =	simm.s32 $_scs_section_size  }
0x9a: {  	s5 =	simm.s32 $_size__tile_overlayer_lowered;
	s6 =	simm.s32 $_tile_overlayer_lowered  }
0x9b: {  	s22 =	simm.s32 $0x1BFF;
	s21 =	sshll.u32 s6, $0x1;
	s3 =	sadd.s32 s4, s19  }
0x9c: {  	s7 =	simm.s32 $0x0;
	s20 =	sshll.u32 s5, $0x1;
	s5 =	sadd.s32 s21, s3  }
0x9d: {  	[timem:s7], [sflag:s22] =	dma.local [hbm:s5], s20  }
0x9e: {  	_ =	swait.ge [sflag:s22], s20  }
0x9f: {  	s4 =	ssub.s32 $0x0, s20;
	[sflag:s22] =	ssyncset.done $0x0  }
0xa0: {  	[sflag:s22] =	ssyncadd.s32 s4;
	_ =	sdelay $0x1  }
0xa1: {  	s23 =	simm.s32 $0x1B8B  }
0xa2: {  	_ =	swait.ge [sflag:s23], $0x1  }
0xa3: {  	[sflag:s23] =	ssyncset.done $0x0  }
0xa4: {  	s25 =	simm.s32 $0x1B8E;
	s24 =	sld [smem:$0x3FFE];
	[sflag:s23] =	ssyncadd.s32 $0xFFFFFFFF  }
0xa5: {  	s26 =	simm.s32 $execute0_lowered;
	[smem:$0x3FD2] =	sst s25  }
0xa6: {  	s5 =	sshll.u32 s26, $0x1;
	_ =	strace $0x80000046;
	[dreg:$0x1] =	wrdreg $0xFFFFFFFF  }
0xa7: {  	s28 =	simm.s32 $_size_execute0_lowered;
	s3 =	sadd.s32 s3, s5;
	[dreg:$0x0] =	wrdreg $0x0  }
0xa8: {  	s5 =	sshll.u32 s28, $0x1;
	[dreg:$0x2] =	wrdreg s3  }
0xa9: {  	[dreg:$0x3] =	wrdreg s5  }
0xaa: {  	[dreg:$0x4] =	wrdreg $0xC0  }
0xab: {  	_ =	task [dreg:s7], $0x5FFFF  }
0xac: {  	[dreg:$0x1] =	wrdreg $0xFFFFFFFF  }
0xad: {  	[dreg:$0x0] =	wrdreg $0x60  }
0xae: {  	[dreg:$0x2] =	wrdreg s24  }
0xaf: {  	[dreg:$0x3] =	wrdreg s2  }
0xb0: {  	[dreg:$0x4] =	wrdreg $0x9  }
0xb1: {  	_ =	task.clear_ibuf [dreg:s7], $0x5FFFF;
	_ =	strace $0x90000046  }
0xb2: {  	s29 =	simm.s32 $0x9;
	_ =	strace $0x80000048  }
0xb3: {  	_ =	swait.ge [sflag:s29], $0x1  }
0xb4: {  	[sflag:s29] =	ssyncadd.s32 $0xFFFFFFFF  }
0xb5: {  	_ =	strace $0x90000048  }
0xb6: {  	_ =	sfence  }
0xb7: {  	s30 =	sld [smem:$0x0];
	_ =	sdelay $0x2  }
0xb8: {  	s31 =	sshll.u32 s1, $0xD;
	s1 =	sshrl.u32 s1, $0x2  }
0xb9: {  	s3 =	sand.u32 $0x4000, s31;
	s1 =	sadd.s32 s1, s30  }
0xba: {  	s0 =	sor.u32 s3, s0;
	s1 =	sshll.u32 s1, $0x11  }
0xbb: {  	s0 =	sor.u32 s1, s0  }
0xbc: {  	s0 =	sadd.s32 $0x8F2B, s0  }
0xbd: {  	[sflag:s0] =	ssyncadd.remote.s32 $0x1  }
0xbe: {  	_ =	sfence.sel $0xFFFF  }
0xbf: {  	[dreg:$0x0] =	wrdreg $0xFFFFFFFF;
	(pc) =	sbr.abs _section_cstart, $3  }
0xc0: {  	[dreg:$0x1] =	wrdreg $0xFFFFFFFF  }
0xc1: {  	_ =	task.clear_ibuf [dreg:s7], $0x2FFFF;
	_ =	strace $0x9FFFFFFF  }
0xc2: {  	(tm) =	ssettm $0x7FFFFFFF  }
0xc3: {  	_ =	shalt  }
tec
execute0_lowered:
.L_overlay_start_1:
0x0: {  	(tag) =	ssettag $0x1  }
0x1: {  	s0 =	rddreg [dreg:$0x0];
	s1 =	srdreg.scid  }
0x2: {  	s2 =	stileid.u32;
	s7 =	rddreg [dreg:$0x1]  }
0x3: {  	s13 =	simm.s32 $0x5;
	s17 =	simm.s32 $0x40;
	s18 =	simm.s32 $0x3100  }
0x4: {  	s19 =	simm.s32 $0x5100;
	s20 =	simm.s32 $0x7100;
	s28 =	simm.s32 $0x13100  }
0x5: {  	s29 =	simm.s32 $0x2;
	s30 =	simm.s32 $0x15100;
	s31 =	simm.s32 $0x3  }
0x6: {  	s1 =	sand.u32 $0x1, s1;
	s3 =	sshll.u32 s2, $0x1;
	s2 =	simm.s32 $0x0  }
0x7: {  	s4 =	sadd.s32 $0xE00, s0;
	s6 =	sadd.s32 $0x8E00, s0;
	s5 =	sor.u32 s1, s3  }
0x8: {  	[smem:$0x7FF] =	sst s2;
	s21 =	ssub.s32 $0x2, s1;
	s3 =	smul.u32 $0xC40, s5  }
0x9: {  	_ =	strace $0x80000047;
	s5 =	smul.u32 $0x62000, s5;
	s8 =	sshrl.u32 s21, $0x1  }
0xa: {  	s0 =	ssub.s32 s21, s8;
	s21 =	simm.s32 $0x9100;
	s22 =	sshrl.u32 s3, $0x3  }
0xb: {  	s23 =	sshrl.u32 s5, $0x3;
	s12 =	smax.u32 s0, $0x1;
	s7 =	sadd.s32 s7, s22  }
0xc: {  	s0 =	simm.s32 $0x0;
	s1 =	sadd.s32 s6, s23;
	s24 =	sadd.s32 $0x3100, s7  }
0xd: {  	s22 =	simm.s32 $0xB100;
	s25 =	sadd.s32 $0x6200, s7;
	[dreg:$0x3] =	wrdreg s24  }
0xe: {  	s23 =	simm.s32 $0xD100;
	s26 =	sadd.s32 $0x9300, s7;
	[dreg:$0x4] =	wrdreg s25  }
0xf: {  	s11 =	sadd.s32 $0xC000, s1;
	s1 =	simm.s32 $0x4;
	[dreg:$0x5] =	wrdreg s26  }
0x10: {  	s24 =	simm.s32 $0xF100;
	s25 =	simm.s32 $0x11100;
	s26 =	simm.s32 $0x1  }
.LBB2_1:
0x11: {  	[tilespmem:s2], [sflag:$0x5] =	stream.linear.gather [hbm4b:s7+s2], $0xC40, $0x38;
	[tilespmem:$0x17100] =	vst v63  }
0x12: {  	_ =	swait.ge [sflag:s13], $0xC40  }
0x13: {  	[sflag:s13] =	ssyncset.done $0x0  }
0x14: {  	s9 =	simm.s32 $0xC40;
	s8 =	rddreg [dreg:$0x3];
	[sflag:s13] =	ssyncadd.s32 $0xFFFFF3C0  }
0x15: {  	[tilespmem:s9], [sflag:$0x5] =	stream.linear.gather [hbm4b:s8+s2], $0xC40, $0x38;
	[tilespmem:$0x17100] =	vst v63  }
0x16: {  	_ =	swait.ge [sflag:s13], $0xC40  }
0x17: {  	[sflag:s13] =	ssyncset.done $0x0  }
0x18: {  	s10 =	simm.s32 $0x1880;
	s15 =	rddreg [dreg:$0x4];
	[sflag:s13] =	ssyncadd.s32 $0xFFFFF3C0  }
0x19: {  	[tilespmem:s10], [sflag:$0x5] =	stream.linear.gather [hbm4b:s15+s2], $0xC40, $0x38;
	[tilespmem:$0x17100] =	vst v63  }
0x1a: {  	_ =	swait.ge [sflag:s13], $0xC40  }
0x1b: {  	[sflag:s13] =	ssyncset.done $0x0  }
0x1c: {  	s14 =	simm.s32 $0x24C0;
	s16 =	rddreg [dreg:$0x5];
	[sflag:s13] =	ssyncadd.s32 $0xFFFFF3C0  }
0x1d: {  	[tilespmem:s14], [sflag:$0x5] =	stream.linear.gather [hbm4b:s16+s2], $0xC40, $0x38;
	[tilespmem:$0x17100] =	vst v63  }
0x1e: {  	_ =	swait.ge [sflag:s13], $0xC40  }
0x1f: {  	[sflag:s13] =	ssyncset.done $0x0  }
0x20: {  	[sflag:s13] =	ssyncadd.s32 $0xFFFFF3C0  }
0x21: {  	[tilespmem:s18], [sflag:$0x1] =	stream.indirect.gather [hbm4b:s4+s17], $0x80, s2, s17, $0xb8;
	[tilespmem:$0x17100] =	vst v63  }
0x22: {  	_ = 	snop  }
0x23: {  	[tilespmem:s19], [sflag:$0x1] =	stream.indirect.gather [hbm4b:s4+s17], $0x80, s9, s17, $0xb8;
	[tilespmem:$0x17100] =	vst v63  }
0x24: {  	_ = 	snop  }
0x25: {  	[tilespmem:s20], [sflag:$0x1] =	stream.indirect.gather [hbm4b:s4+s17], $0x80, s10, s17, $0xb8;
	[tilespmem:$0x17100] =	vst v63  }
0x26: {  	_ = 	snop  }
0x27: {  	[tilespmem:s21], [sflag:$0x1] =	stream.indirect.gather [hbm4b:s4+s17], $0x80, s14, s17, $0xb8;
	[tilespmem:$0x17100] =	vst v63  }
0x28: {  	s14 =	simm.s32 $0x0  }
.LBB2_2:
0x29: {  	s16 =	sshll.u32 s14, $0x7  }
0x2a: {  	s15 =	sor.u32 $0x40, s16  }
0x2b: {  	[tilespmem:s22], [sflag:$0x2] =	stream.indirect.gather [hbm4b:s4+s17], $0x80, s15, s17, $0xb8;
	[tilespmem:$0x17100] =	vst v63  }
0x2c: {  	s8 =	sadd.s32 $0xC80, s16  }
0x2d: {  	[tilespmem:s23], [sflag:$0x2] =	stream.indirect.gather [hbm4b:s4+s17], $0x80, s8, s17, $0xb8;
	[tilespmem:$0x17100] =	vst v63  }
0x2e: {  	s9 =	sadd.s32 $0x18C0, s16  }
0x2f: {  	[tilespmem:s24], [sflag:$0x2] =	stream.indirect.gather [hbm4b:s4+s17], $0x80, s9, s17, $0xb8;
	[tilespmem:$0x17100] =	vst v63  }
0x30: {  	s10 =	sadd.s32 $0x2500, s16  }
0x31: {  	[tilespmem:s25], [sflag:$0x2] =	stream.indirect.gather [hbm4b:s4+s17], $0x80, s10, s17, $0xb8;
	[tilespmem:$0x17100] =	vst v63  }
0x32: {  	_ =	swait.ge [sflag:s26], $0x2000  }
0x33: {  	[sflag:s26] =	ssyncset.done $0x0  }
0x34: {  	[sflag:s26] =	ssyncadd.s32 $0xFFFFE000  }
0x35: {  	_ =	swait.ge [sflag:s26], $0x2000  }
0x36: {  	[sflag:s26] =	ssyncset.done $0x0  }
0x37: {  	[sflag:s26] =	ssyncadd.s32 $0xFFFFE000  }
0x38: {  	_ =	swait.ge [sflag:s26], $0x2000  }
0x39: {  	[sflag:s26] =	ssyncset.done $0x0  }
0x3a: {  	[sflag:s26] =	ssyncadd.s32 $0xFFFFE000  }
0x3b: {  	_ =	swait.ge [sflag:s26], $0x2000  }
0x3c: {  	p0 =	seq.s32 s14, $0x0;
	[sflag:s26] =	ssyncset.done $0x0  }
0x3d: {  	s8 =	simm.s32 @!p0 $0x3;
	[sflag:s26] =	ssyncadd.s32 $0xFFFFE000  }
0x3e: {  	_ =	swait.ge @!p0 [sflag:s8], $0x2000  }
0x3f: {  	[sflag:s8] =	ssyncset.done @!p0 $0x0  }
0x40: {  	[sflag:s8] =	ssyncadd.s32 @!p0 $0xFFFFE000;
	s8 =	simm.s32 $0x0  }
0x41: {  	v0 =	vld [tilespmem:s8+$0x3170]  }
0x42: {  	v1 =	vld [tilespmem:s8+$0x5170]  }
0x43: {  	v2 =	vld [tilespmem:s8+$0x3100]  }
0x44: {  	v3 =	vld [tilespmem:s8+$0x7170]  }
0x45: {  	v4 =	vld [tilespmem:s8+$0x5100]  }
0x46: {  	v5 =	vld [tilespmem:s8+$0x9170]  }
0x47: {  	v6 =	vld [tilespmem:s8+$0x3110]  }
0x48: {  	v7 =	vld [tilespmem:s8+$0x3120]  }
0x49: {  	v8 =	vld [tilespmem:s8+$0x3130]  }
0x4a: {  	v9 =	vld [tilespmem:s8+$0x3140]  }
0x4b: {  	v10 =	vld [tilespmem:s8+$0x3150]  }
0x4c: {  	v11 =	vld [tilespmem:s8+$0x5150]  }
0x4d: {  	v12 =	vld [tilespmem:s8+$0x3160]  }
0x4e: {  	v13 =	vld [tilespmem:s8+$0x5160]  }
0x4f: {  	v14 =	vld [tilespmem:s8+$0x7100]  }
0x50: {  	v15 =	vld [tilespmem:s8+$0x7110]  }
0x51: {  	v16 =	vld [tilespmem:s8+$0x7120];
	v0 =	vadd.bf16 v1, v0  }
0x52: {  	v17 =	vld [tilespmem:s8+$0x7130]  }
0x53: {  	v18 =	vld [tilespmem:s8+$0x7140];
	v0 =	vadd.bf16 v3, v0  }
0x54: {  	v1 =	vld [tilespmem:s8+$0x5110]  }
0x55: {  	v3 =	vld [tilespmem:s8+$0x5120];
	v0 =	vadd.bf16 v5, v0  }
0x56: {  	v5 =	vld [tilespmem:s8+$0x5130]  }
0x57: {  	[tilespmem:s8+$0x13170] =	vst v0;
	v0 =	vld [tilespmem:s8+$0x5140]  }
0x58: {  	v19 =	vld [tilespmem:s8+$0x7150]  }
0x59: {  	v20 =	vld [tilespmem:s8+$0x7160];
	v2 =	vadd.bf16 v4, v2  }
0x5a: {  	v21 =	vld [tilespmem:s8+$0x9100];
	v1 =	vadd.bf16 v1, v6;
	v3 =	vadd.bf16 v3, v7  }
0x5b: {  	v22 =	vld [tilespmem:s8+$0x9110];
	v5 =	vadd.bf16 v5, v8;
	v8 =	vadd.bf16 v14, v2  }
0x5c: {  	v23 =	vld [tilespmem:s8+$0x9120];
	v62 =	vadd.bf16 v16, v3;
	v0 =	vadd.bf16 v0, v9  }
0x5d: {  	v7 =	vld [tilespmem:s8+$0x9130];
	v9 =	vadd.bf16 v11, v10;
	v10 =	vadd.bf16 v13, v12  }
0x5e: {  	v4 =	vld [tilespmem:s8+$0x9140];
	v11 =	vadd.bf16 v15, v1;
	v6 =	vadd.bf16 v17, v5  }
0x5f: {  	v5 =	vld [tilespmem:s8+$0x9150];
	v63 =	vadd.bf16 v21, v8;
	v2 =	vadd.bf16 v18, v0  }
0x60: {  	s9 =	simm.s32 $0x80;
	v8 =	vld [tilespmem:s8+$0x9160];
	v3 =	vadd.bf16 v19, v9;
	v9 =	vadd.bf16 v22, v11  }
0x61: {  	s10 =	simm.s32 $0x400;
	v1 =	vld [tilespmem:s9+$0x3170];
	v0 =	vadd.bf16 v20, v10;
	[tilespmem:s8+$0x13100] =	vst v63;
	v10 =	vadd.bf16 v23, v62  }
.LBB2_3:
0x62: {  	p1 =	sne.s32 s10, $0x7E00;
	v11 =	vld [tilespmem:s9+$0x5170];
	[tilespmem:s8+$0x13110] =	vst v9;
	v6 =	vadd.bf16 v7, v6  }
0x63: {  	v7 =	vld [tilespmem:s9+$0x3100];
	[tilespmem:s8+$0x13120] =	vst v10;
	v2 =	vadd.bf16 v4, v2  }
0x64: {  	v4 =	vld [tilespmem:s9+$0x7170];
	[tilespmem:s8+$0x13130] =	vst v6;
	v3 =	vadd.bf16 v5, v3  }
0x65: {  	v5 =	vld [tilespmem:s9+$0x5100];
	[tilespmem:s8+$0x13140] =	vst v2;
	v0 =	vadd.bf16 v8, v0  }
0x66: {  	v2 =	vld [tilespmem:s9+$0x9170];
	[tilespmem:s8+$0x13150] =	vst v3  }
0x67: {  	v3 =	vld [tilespmem:s9+$0x3110];
	v1 =	vadd.bf16 v11, v1;
	[tilespmem:s8+$0x13160] =	vst v0;
	s8 =	smov.u32 s9  }
0x68: {  	v0 =	vld [tilespmem:s8+$0x5110]  }
0x69: {  	v6 =	vld [tilespmem:s8+$0x3120];
	v1 =	vadd.bf16 v4, v1  }
0x6a: {  	v4 =	vadd.bf16 v5, v7;
	v5 =	vld [tilespmem:s8+$0x5120]  }
0x6b: {  	v7 =	vld [tilespmem:s8+$0x3130];
	v1 =	vadd.bf16 v2, v1  }
0x6c: {  	v2 =	vld [tilespmem:s8+$0x5130]  }
0x6d: {  	v0 =	vadd.bf16 v0, v3;
	v3 =	vld [tilespmem:s8+$0x3140];
	[tilespmem:s8+$0x13170] =	vst v1  }
0x6e: {  	v1 =	vld [tilespmem:s8+$0x5140]  }
0x6f: {  	v5 =	vadd.bf16 v5, v6;
	v6 =	vld [tilespmem:s8+$0x3150]  }
0x70: {  	v8 =	vld [tilespmem:s8+$0x5150]  }
0x71: {  	v2 =	vadd.bf16 v2, v7;
	v7 =	vld [tilespmem:s8+$0x3160]  }
0x72: {  	v9 =	vld [tilespmem:s8+$0x5160]  }
0x73: {  	v10 =	vld [tilespmem:s8+$0x7100];
	v1 =	vadd.bf16 v1, v3  }
0x74: {  	v3 =	vld [tilespmem:s8+$0x7110]  }
0x75: {  	v11 =	vld [tilespmem:s8+$0x7120];
	v8 =	vadd.bf16 v8, v6  }
0x76: {  	v6 =	vld [tilespmem:s8+$0x7130]  }
0x77: {  	v12 =	vld [tilespmem:s8+$0x7140];
	v9 =	vadd.bf16 v9, v7  }
0x78: {  	v10 =	vadd.bf16 v10, v4;
	v4 =	vld [tilespmem:s8+$0x7150]  }
0x79: {  	v13 =	vadd.bf16 v3, v0;
	v0 =	vld [tilespmem:s8+$0x7160]  }
0x7a: {  	v14 =	vld [tilespmem:s8+$0x9100];
	v11 =	vadd.bf16 v11, v5  }
0x7b: {  	v15 =	vld [tilespmem:s8+$0x9110];
	v6 =	vadd.bf16 v6, v2  }
0x7c: {  	v16 =	vld [tilespmem:s8+$0x9120];
	v2 =	vadd.bf16 v12, v1  }
.Ltmp0:
0x7d: {  	v7 =	vld [tilespmem:s8+$0x9130];
	v3 =	vadd.bf16 v4, v8;
	(pc) =	sbr.rel @p1 .LBB2_3-.Ltmp0, $4  }
0x7e: {  	v4 =	vld [tilespmem:s8+$0x9140];
	v0 =	vadd.bf16 v0, v9  }
0x7f: {  	v10 =	vadd.bf16 v14, v10;
	v5 =	vld [tilespmem:s8+$0x9150]  }
0x80: {  	s9 =	sshra.s32 s10, $0x2;
	v9 =	vadd.bf16 v15, v13;
	v8 =	vld [tilespmem:s8+$0x9160]  }
0x81: {  	s10 =	sadd.s32 $0x200, s10;
	v1 =	vld [tilespmem:s9+$0x3170];
	[tilespmem:s8+$0x13100] =	vst v10;
	v10 =	vadd.bf16 v16, v11  }
0x82: {  	v11 =	vld [tilespmem:s9+$0x5170];
	[tilespmem:s8+$0x13110] =	vst v9;
	v6 =	vadd.bf16 v7, v6  }
0x83: {  	v9 =	vld [tilespmem:s9+$0x3100];
	[tilespmem:s8+$0x13120] =	vst v10;
	v2 =	vadd.bf16 v4, v2  }
0x84: {  	v7 =	vld [tilespmem:s9+$0x7170];
	[tilespmem:s8+$0x13130] =	vst v6;
	v3 =	vadd.bf16 v5, v3  }
0x85: {  	v4 =	vld [tilespmem:s9+$0x5100];
	[tilespmem:s8+$0x13140] =	vst v2;
	v0 =	vadd.bf16 v8, v0  }
0x86: {  	v2 =	vld [tilespmem:s9+$0x9170];
	[tilespmem:s8+$0x13150] =	vst v3  }
0x87: {  	v3 =	vld [tilespmem:s9+$0x3110];
	[tilespmem:s8+$0x13160] =	vst v0  }
0x88: {  	v0 =	vadd.bf16 v11, v1;
	v1 =	vld [tilespmem:s9+$0x5110]  }
0x89: {  	v5 =	vld [tilespmem:s9+$0x3120]  }
0x8a: {  	v6 =	vld [tilespmem:s9+$0x5120]  }
0x8b: {  	v8 =	vld [tilespmem:s9+$0x3140]  }
0x8c: {  	v10 =	vld [tilespmem:s9+$0x3150]  }
0x8d: {  	v11 =	vld [tilespmem:s9+$0x5150]  }
0x8e: {  	v12 =	vld [tilespmem:s9+$0x3160]  }
0x8f: {  	v13 =	vld [tilespmem:s9+$0x5160]  }
0x90: {  	v14 =	vld [tilespmem:s9+$0x7100]  }
0x91: {  	v15 =	vld [tilespmem:s9+$0x7110]  }
0x92: {  	v16 =	vld [tilespmem:s9+$0x7120]  }
0x93: {  	v17 =	vld [tilespmem:s9+$0x7130]  }
0x94: {  	v18 =	vld [tilespmem:s9+$0x7140];
	v0 =	vadd.bf16 v7, v0  }
0x95: {  	v19 =	vld [tilespmem:s9+$0x7150]  }
0x96: {  	v20 =	vld [tilespmem:s9+$0x7160];
	v0 =	vadd.bf16 v2, v0  }
0x97: {  	v7 =	vld [tilespmem:s9+$0x3130]  }
0x98: {  	[tilespmem:s9+$0x13170] =	vst v0;
	v0 =	vld [tilespmem:s9+$0x5140]  }
0x99: {  	v2 =	vld [tilespmem:s9+$0x5130]  }
0x9a: {  	v4 =	vadd.bf16 v4, v9;
	v9 =	vld [tilespmem:s9+$0x9100];
	v1 =	vadd.bf16 v1, v3  }
0x9b: {  	v3 =	vadd.bf16 v6, v5;
	v5 =	vld [tilespmem:s9+$0x9110]  }
0x9c: {  	v6 =	vld [tilespmem:s9+$0x9120];
	v4 =	vadd.bf16 v14, v4;
	v1 =	vadd.bf16 v15, v1  }
0x9d: {  	v3 =	vadd.bf16 v16, v3;
	v0 =	vadd.bf16 v0, v8;
	v8 =	vld [tilespmem:s9+$0x9130]  }
0x9e: {  	v2 =	vadd.bf16 v2, v7;
	v7 =	vadd.bf16 v11, v10;
	v11 =	vld [tilespmem:s9+$0x9140]  }
0x9f: {  	v4 =	vadd.bf16 v9, v4;
	v9 =	vld [tilespmem:s9+$0x9150];
	v10 =	vadd.bf16 v13, v12  }
0xa0: {  	v2 =	vadd.bf16 v17, v2;
	v1 =	vadd.bf16 v5, v1;
	v5 =	vld [tilespmem:s9+$0x9160]  }
0xa1: {  	[tilespmem:s9+$0x13100] =	vst v4;
	v3 =	vadd.bf16 v6, v3;
	v0 =	vadd.bf16 v18, v0  }
0xa2: {  	v4 =	vadd.bf16 v19, v7;
	[tilespmem:s9+$0x13110] =	vst v1;
	v1 =	vadd.bf16 v8, v2  }
0xa3: {  	[tilespmem:s9+$0x13120] =	vst v3;
	v0 =	vadd.bf16 v11, v0;
	v2 =	vadd.bf16 v20, v10  }
0xa4: {  	s10 =	sshll.u32 s14, $0xE;
	[tilespmem:s9+$0x13130] =	vst v1;
	v1 =	vadd.bf16 v9, v4  }
0xa5: {  	s8 =	sadd.s32 s5, s10;
	[tilespmem:s9+$0x13140] =	vst v0;
	v0 =	vadd.bf16 v5, v2  }
0xa6: {  	s8 =	sshrl.u32 s8, $0x3;
	[tilespmem:s9+$0x13150] =	vst v1  }
0xa7: {  	s8 =	sadd.s32 s6, s8;
	[tilespmem:s9+$0x13160] =	vst v0  }
0xa8: {  	[hbm4b:s8+s2] =	stream.linear.scatter [tilespmem:s28], [sflag:$0x3], $0x2000, $0x38;
	[tilespmem:$0x17100] =	vst v63  }
0xa9: {  	s10 =	sadd.s32 $0x80, s16  }
0xaa: {  	[tilespmem:s18], [sflag:$0x1] =	stream.indirect.gather [hbm4b:s4+s17], $0x80, s10, s17, $0xb8;
	[tilespmem:$0x17100] =	vst v63  }
0xab: {  	s9 =	sadd.s32 $0xCC0, s16  }
0xac: {  	[tilespmem:s19], [sflag:$0x1] =	stream.indirect.gather [hbm4b:s4+s17], $0x80, s9, s17, $0xb8;
	[tilespmem:$0x17100] =	vst v63  }
0xad: {  	s10 =	sadd.s32 $0x1900, s16  }
0xae: {  	[tilespmem:s20], [sflag:$0x1] =	stream.indirect.gather [hbm4b:s4+s17], $0x80, s10, s17, $0xb8;
	[tilespmem:$0x17100] =	vst v63  }
0xaf: {  	s16 =	sadd.s32 $0x2540, s16  }
0xb0: {  	[tilespmem:s21], [sflag:$0x1] =	stream.indirect.gather [hbm4b:s4+s17], $0x80, s16, s17, $0xb8;
	[tilespmem:$0x17100] =	vst v63  }
0xb1: {  	_ =	swait.ge [sflag:s29], $0x2000  }
0xb2: {  	[sflag:s29] =	ssyncset.done $0x0  }
0xb3: {  	[sflag:s29] =	ssyncadd.s32 $0xFFFFE000  }
0xb4: {  	_ =	swait.ge [sflag:s29], $0x2000  }
0xb5: {  	[sflag:s29] =	ssyncset.done $0x0  }
0xb6: {  	[sflag:s29] =	ssyncadd.s32 $0xFFFFE000  }
0xb7: {  	_ =	swait.ge [sflag:s29], $0x2000  }
0xb8: {  	[sflag:s29] =	ssyncset.done $0x0  }
0xb9: {  	[sflag:s29] =	ssyncadd.s32 $0xFFFFE000  }
0xba: {  	_ =	swait.ge [sflag:s29], $0x2000  }
0xbb: {  	[sflag:s29] =	ssyncset.done $0x0  }
0xbc: {  	s8 =	simm.s32 @!p0 $0x4;
	[sflag:s29] =	ssyncadd.s32 $0xFFFFE000  }
0xbd: {  	_ =	swait.ge @!p0 [sflag:s8], $0x2000  }
0xbe: {  	[sflag:s8] =	ssyncset.done @!p0 $0x0  }
0xbf: {  	[sflag:s8] =	ssyncadd.s32 @!p0 $0xFFFFE000;
	s8 =	simm.s32 $0x0  }
0xc0: {  	v0 =	vld [tilespmem:s8+$0xB170]  }
0xc1: {  	v1 =	vld [tilespmem:s8+$0xD170]  }
0xc2: {  	v2 =	vld [tilespmem:s8+$0xB100]  }
0xc3: {  	v3 =	vld [tilespmem:s8+$0xF170]  }
0xc4: {  	v4 =	vld [tilespmem:s8+$0xD100]  }
0xc5: {  	v5 =	vld [tilespmem:s8+$0x11170]  }
0xc6: {  	v6 =	vld [tilespmem:s8+$0xB110]  }
0xc7: {  	v7 =	vld [tilespmem:s8+$0xB120]  }
0xc8: {  	v8 =	vld [tilespmem:s8+$0xB130]  }
0xc9: {  	v9 =	vld [tilespmem:s8+$0xB140]  }
0xca: {  	v10 =	vld [tilespmem:s8+$0xB150]  }
0xcb: {  	v11 =	vld [tilespmem:s8+$0xD150]  }
0xcc: {  	v53 =	vld [tilespmem:s8+$0xB160]  }
0xcd: {  	v54 =	vld [tilespmem:s8+$0xD160]  }
0xce: {  	v55 =	vld [tilespmem:s8+$0xF100]  }
0xcf: {  	v56 =	vld [tilespmem:s8+$0xF110]  }
0xd0: {  	v57 =	vld [tilespmem:s8+$0xF120];
	v0 =	vadd.bf16 v1, v0  }
0xd1: {  	v58 =	vld [tilespmem:s8+$0xF130]  }
0xd2: {  	v59 =	vld [tilespmem:s8+$0xF140];
	v0 =	vadd.bf16 v3, v0  }
0xd3: {  	v1 =	vld [tilespmem:s8+$0xD110]  }
0xd4: {  	v3 =	vld [tilespmem:s8+$0xD120];
	v0 =	vadd.bf16 v5, v0  }
0xd5: {  	v5 =	vld [tilespmem:s8+$0xD130]  }
0xd6: {  	[tilespmem:s8+$0x15170] =	vst v0;
	v0 =	vld [tilespmem:s8+$0xD140]  }
0xd7: {  	v60 =	vld [tilespmem:s8+$0xF150]  }
0xd8: {  	v61 =	vld [tilespmem:s8+$0xF160];
	v2 =	vadd.bf16 v4, v2  }
0xd9: {  	v21 =	vld [tilespmem:s8+$0x11100];
	v1 =	vadd.bf16 v1, v6;
	v3 =	vadd.bf16 v3, v7  }
0xda: {  	v22 =	vld [tilespmem:s8+$0x11110];
	v5 =	vadd.bf16 v5, v8;
	v8 =	vadd.bf16 v55, v2  }
0xdb: {  	v23 =	vld [tilespmem:s8+$0x11120];
	v62 =	vadd.bf16 v57, v3;
	v0 =	vadd.bf16 v0, v9  }
0xdc: {  	v7 =	vld [tilespmem:s8+$0x11130];
	v9 =	vadd.bf16 v11, v10;
	v10 =	vadd.bf16 v54, v53  }
0xdd: {  	v4 =	vld [tilespmem:s8+$0x11140];
	v11 =	vadd.bf16 v56, v1;
	v6 =	vadd.bf16 v58, v5  }
0xde: {  	v5 =	vld [tilespmem:s8+$0x11150];
	v63 =	vadd.bf16 v21, v8;
	v2 =	vadd.bf16 v59, v0  }
0xdf: {  	s9 =	simm.s32 $0x80;
	v8 =	vld [tilespmem:s8+$0x11160];
	v3 =	vadd.bf16 v60, v9;
	v9 =	vadd.bf16 v22, v11  }
0xe0: {  	s10 =	simm.s32 $0x400;
	v1 =	vld [tilespmem:s9+$0xB170];
	v0 =	vadd.bf16 v61, v10;
	[tilespmem:s8+$0x15100] =	vst v63;
	v10 =	vadd.bf16 v23, v62  }
.LBB2_5:
0xe1: {  	p0 =	sne.s32 s10, $0x7E00;
	v11 =	vld [tilespmem:s9+$0xD170];
	[tilespmem:s8+$0x15110] =	vst v9;
	v6 =	vadd.bf16 v7, v6  }
0xe2: {  	v7 =	vld [tilespmem:s9+$0xB100];
	[tilespmem:s8+$0x15120] =	vst v10;
	v2 =	vadd.bf16 v4, v2  }
0xe3: {  	v4 =	vld [tilespmem:s9+$0xF170];
	[tilespmem:s8+$0x15130] =	vst v6;
	v3 =	vadd.bf16 v5, v3  }
0xe4: {  	v5 =	vld [tilespmem:s9+$0xD100];
	[tilespmem:s8+$0x15140] =	vst v2;
	v0 =	vadd.bf16 v8, v0  }
0xe5: {  	v2 =	vld [tilespmem:s9+$0x11170];
	[tilespmem:s8+$0x15150] =	vst v3  }
0xe6: {  	v3 =	vld [tilespmem:s9+$0xB110];
	v1 =	vadd.bf16 v11, v1;
	[tilespmem:s8+$0x15160] =	vst v0;
	s8 =	smov.u32 s9  }
0xe7: {  	v0 =	vld [tilespmem:s8+$0xD110]  }
0xe8: {  	v6 =	vld [tilespmem:s8+$0xB120];
	v1 =	vadd.bf16 v4, v1  }
0xe9: {  	v4 =	vadd.bf16 v5, v7;
	v5 =	vld [tilespmem:s8+$0xD120]  }
0xea: {  	v7 =	vld [tilespmem:s8+$0xB130];
	v1 =	vadd.bf16 v2, v1  }
0xeb: {  	v2 =	vld [tilespmem:s8+$0xD130]  }
0xec: {  	v0 =	vadd.bf16 v0, v3;
	v3 =	vld [tilespmem:s8+$0xB140];
	[tilespmem:s8+$0x15170] =	vst v1  }
0xed: {  	v1 =	vld [tilespmem:s8+$0xD140]  }
0xee: {  	v5 =	vadd.bf16 v5, v6;
	v6 =	vld [tilespmem:s8+$0xB150]  }
0xef: {  	v8 =	vld [tilespmem:s8+$0xD150]  }
0xf0: {  	v2 =	vadd.bf16 v2, v7;
	v7 =	vld [tilespmem:s8+$0xB160]  }
0xf1: {  	v9 =	vld [tilespmem:s8+$0xD160]  }
0xf2: {  	v10 =	vld [tilespmem:s8+$0xF100];
	v1 =	vadd.bf16 v1, v3  }
0xf3: {  	v3 =	vld [tilespmem:s8+$0xF110]  }
0xf4: {  	v11 =	vld [tilespmem:s8+$0xF120];
	v8 =	vadd.bf16 v8, v6  }
0xf5: {  	v6 =	vld [tilespmem:s8+$0xF130]  }
0xf6: {  	v12 =	vld [tilespmem:s8+$0xF140];
	v9 =	vadd.bf16 v9, v7  }
0xf7: {  	v10 =	vadd.bf16 v10, v4;
	v4 =	vld [tilespmem:s8+$0xF150]  }
0xf8: {  	v13 =	vadd.bf16 v3, v0;
	v0 =	vld [tilespmem:s8+$0xF160]  }
0xf9: {  	v14 =	vld [tilespmem:s8+$0x11100];
	v11 =	vadd.bf16 v11, v5  }
0xfa: {  	v15 =	vld [tilespmem:s8+$0x11110];
	v6 =	vadd.bf16 v6, v2  }
0xfb: {  	v16 =	vld [tilespmem:s8+$0x11120];
	v2 =	vadd.bf16 v12, v1  }
.Ltmp1:
0xfc: {  	v7 =	vld [tilespmem:s8+$0x11130];
	v3 =	vadd.bf16 v4, v8;
	(pc) =	sbr.rel @p0 .LBB2_5-.Ltmp1, $4  }
0xfd: {  	v4 =	vld [tilespmem:s8+$0x11140];
	v0 =	vadd.bf16 v0, v9  }
0xfe: {  	v10 =	vadd.bf16 v14, v10;
	v5 =	vld [tilespmem:s8+$0x11150]  }
0xff: {  	s9 =	sshra.s32 s10, $0x2;
	v9 =	vadd.bf16 v15, v13;
	v8 =	vld [tilespmem:s8+$0x11160]  }
0x100: {  	s10 =	sadd.s32 $0x200, s10;
	v1 =	vld [tilespmem:s9+$0xB170];
	[tilespmem:s8+$0x15100] =	vst v10;
	v10 =	vadd.bf16 v16, v11  }
0x101: {  	v11 =	vld [tilespmem:s9+$0xD170];
	[tilespmem:s8+$0x15110] =	vst v9;
	v6 =	vadd.bf16 v7, v6  }
0x102: {  	v9 =	vld [tilespmem:s9+$0xB100];
	[tilespmem:s8+$0x15120] =	vst v10;
	v2 =	vadd.bf16 v4, v2  }
0x103: {  	v39 =	vld [tilespmem:s9+$0xF170];
	[tilespmem:s8+$0x15130] =	vst v6;
	v3 =	vadd.bf16 v5, v3  }
0x104: {  	v40 =	vld [tilespmem:s9+$0xD100];
	[tilespmem:s8+$0x15140] =	vst v2;
	v0 =	vadd.bf16 v8, v0  }
0x105: {  	v2 =	vld [tilespmem:s9+$0x11170];
	[tilespmem:s8+$0x15150] =	vst v3  }
0x106: {  	v3 =	vld [tilespmem:s9+$0xB110];
	[tilespmem:s8+$0x15160] =	vst v0  }
0x107: {  	v42 =	vld [tilespmem:s9+$0xD110]  }
0x108: {  	v43 =	vld [tilespmem:s9+$0xB120]  }
0x109: {  	v6 =	vld [tilespmem:s9+$0xD120]  }
0x10a: {  	v44 =	vld [tilespmem:s9+$0xB130]  }
0x10b: {  	v45 =	vld [tilespmem:s9+$0xD130]  }
0x10c: {  	v46 =	vld [tilespmem:s9+$0xB140]  }
0x10d: {  	v47 =	vld [tilespmem:s9+$0xD140]  }
0x10e: {  	v10 =	vld [tilespmem:s9+$0xB150]  }
0x10f: {  	v48 =	vld [tilespmem:s9+$0xD150]  }
0x110: {  	v12 =	vld [tilespmem:s9+$0xB160]  }
0x111: {  	v13 =	vld [tilespmem:s9+$0xD160]  }
0x112: {  	v14 =	vld [tilespmem:s9+$0xF100]  }
0x113: {  	v15 =	vld [tilespmem:s9+$0xF110]  }
0x114: {  	v16 =	vld [tilespmem:s9+$0xF120]  }
0x115: {  	v41 =	vadd.bf16 v11, v1;
	v17 =	vld [tilespmem:s9+$0xF130]  }
0x116: {  	v18 =	vld [tilespmem:s9+$0xF140]  }
0x117: {  	v19 =	vld [tilespmem:s9+$0xF150];
	v0 =	vadd.bf16 v39, v41  }
0x118: {  	v20 =	vld [tilespmem:s9+$0xF160]  }
0x119: {  	v49 =	vld [tilespmem:s9+$0x11100];
	v4 =	vadd.bf16 v40, v9;
	v0 =	vadd.bf16 v2, v0  }
0x11a: {  	v51 =	vld [tilespmem:s9+$0x11110];
	v1 =	vadd.bf16 v42, v3;
	v50 =	vadd.bf16 v6, v43  }
0x11b: {  	v52 =	vld [tilespmem:s9+$0x11120];
	[tilespmem:s9+$0x15170] =	vst v0;
	v2 =	vadd.bf16 v45, v44;
	v0 =	vadd.bf16 v47, v46  }
0x11c: {  	v54 =	vld [tilespmem:s9+$0x11130];
	v53 =	vadd.bf16 v48, v10;
	v4 =	vadd.bf16 v14, v4  }
0x11d: {  	v56 =	vld [tilespmem:s9+$0x11140];
	v55 =	vadd.bf16 v13, v12;
	v1 =	vadd.bf16 v15, v1  }
0x11e: {  	v57 =	vld [tilespmem:s9+$0x11150];
	v3 =	vadd.bf16 v16, v50;
	v4 =	vadd.bf16 v49, v4  }
0x11f: {  	v58 =	vld [tilespmem:s9+$0x11160];
	v2 =	vadd.bf16 v17, v2;
	v1 =	vadd.bf16 v51, v1  }
0x120: {  	v0 =	vadd.bf16 v18, v0;
	[tilespmem:s9+$0x15100] =	vst v4;
	v3 =	vadd.bf16 v52, v3  }
0x121: {  	s14 =	sadd.s32 $0x1, s14;
	v59 =	vadd.bf16 v19, v53;
	v60 =	vadd.bf16 v54, v2;
	[tilespmem:s9+$0x15110] =	vst v1  }
0x122: {  	p0 =	sne.s32 s14, $0x18;
	v61 =	vadd.bf16 v20, v55;
	v0 =	vadd.bf16 v56, v0;
	[tilespmem:s9+$0x15120] =	vst v3  }
.Ltmp2:
0x123: {  	v62 =	vadd.bf16 v57, v59;
	[tilespmem:s9+$0x15130] =	vst v60;
	(pc) =	sbr.rel @p0 .LBB2_2-.Ltmp2, $4  }
0x124: {  	s16 =	sadd.s32 s3, s15;
	v63 =	vadd.bf16 v58, v61;
	[tilespmem:s9+$0x15140] =	vst v0  }
0x125: {  	s8 =	sshll.u32 s16, $0x4;
	[tilespmem:s9+$0x15150] =	vst v62  }
0x126: {  	s8 =	sadd.s32 s6, s8;
	[tilespmem:s9+$0x15160] =	vst v63  }
0x127: {  	[hbm4b:s8+s2] =	stream.linear.scatter [tilespmem:s30], [sflag:$0x4], $0x2000, $0x38;
	[tilespmem:$0x17100] =	vst v63  }
0x128: {  	_ =	swait.ge [sflag:s26], $0x2000  }
0x129: {  	[sflag:s26] =	ssyncset.done $0x0  }
0x12a: {  	[sflag:s26] =	ssyncadd.s32 $0xFFFFE000  }
0x12b: {  	_ =	swait.ge [sflag:s26], $0x2000  }
0x12c: {  	[sflag:s26] =	ssyncset.done $0x0  }
0x12d: {  	[sflag:s26] =	ssyncadd.s32 $0xFFFFE000  }
0x12e: {  	_ =	swait.ge [sflag:s26], $0x2000  }
0x12f: {  	[sflag:s26] =	ssyncset.done $0x0  }
0x130: {  	[sflag:s26] =	ssyncadd.s32 $0xFFFFE000  }
0x131: {  	_ =	swait.ge [sflag:s26], $0x2000  }
0x132: {  	[sflag:s26] =	ssyncset.done $0x0  }
0x133: {  	[sflag:s26] =	ssyncadd.s32 $0xFFFFE000  }
0x134: {  	_ =	swait.ge [sflag:s31], $0x2000  }
0x135: {  	[sflag:s31] =	ssyncset.done $0x0  }
0x136: {  	s8 =	simm.s32 $0x0;
	[sflag:s31] =	ssyncadd.s32 $0xFFFFE000  }
0x137: {  	v0 =	vld [tilespmem:s8+$0x3170]  }
0x138: {  	v1 =	vld [tilespmem:s8+$0x5170]  }
0x139: {  	v2 =	vld [tilespmem:s8+$0x3100]  }
0x13a: {  	v3 =	vld [tilespmem:s8+$0x7170]  }
0x13b: {  	v4 =	vld [tilespmem:s8+$0x5100]  }
0x13c: {  	v5 =	vld [tilespmem:s8+$0x9170]  }
0x13d: {  	v6 =	vld [tilespmem:s8+$0x3110]  }
0x13e: {  	v7 =	vld [tilespmem:s8+$0x3120]  }
0x13f: {  	v8 =	vld [tilespmem:s8+$0x3130]  }
0x140: {  	v9 =	vld [tilespmem:s8+$0x3140]  }
0x141: {  	v10 =	vld [tilespmem:s8+$0x3150]  }
0x142: {  	v11 =	vld [tilespmem:s8+$0x5150]  }
0x143: {  	v12 =	vld [tilespmem:s8+$0x3160]  }
0x144: {  	v13 =	vld [tilespmem:s8+$0x5160]  }
0x145: {  	v14 =	vld [tilespmem:s8+$0x7100]  }
0x146: {  	v15 =	vld [tilespmem:s8+$0x7110]  }
0x147: {  	v16 =	vld [tilespmem:s8+$0x7120];
	v0 =	vadd.bf16 v1, v0  }
0x148: {  	v17 =	vld [tilespmem:s8+$0x7130]  }
0x149: {  	v18 =	vld [tilespmem:s8+$0x7140];
	v0 =	vadd.bf16 v3, v0  }
0x14a: {  	v1 =	vld [tilespmem:s8+$0x5110]  }
0x14b: {  	v3 =	vld [tilespmem:s8+$0x5120];
	v0 =	vadd.bf16 v5, v0  }
0x14c: {  	v5 =	vld [tilespmem:s8+$0x5130]  }
0x14d: {  	[tilespmem:s8+$0x13170] =	vst v0;
	v0 =	vld [tilespmem:s8+$0x5140]  }
0x14e: {  	v19 =	vld [tilespmem:s8+$0x7150]  }
0x14f: {  	v20 =	vld [tilespmem:s8+$0x7160];
	v2 =	vadd.bf16 v4, v2  }
0x150: {  	v21 =	vld [tilespmem:s8+$0x9100];
	v1 =	vadd.bf16 v1, v6;
	v3 =	vadd.bf16 v3, v7  }
0x151: {  	v22 =	vld [tilespmem:s8+$0x9110];
	v5 =	vadd.bf16 v5, v8;
	v8 =	vadd.bf16 v14, v2  }
0x152: {  	v23 =	vld [tilespmem:s8+$0x9120];
	v62 =	vadd.bf16 v16, v3;
	v0 =	vadd.bf16 v0, v9  }
0x153: {  	v7 =	vld [tilespmem:s8+$0x9130];
	v9 =	vadd.bf16 v11, v10;
	v10 =	vadd.bf16 v13, v12  }
0x154: {  	v4 =	vld [tilespmem:s8+$0x9140];
	v11 =	vadd.bf16 v15, v1;
	v6 =	vadd.bf16 v17, v5  }
0x155: {  	v5 =	vld [tilespmem:s8+$0x9150];
	v63 =	vadd.bf16 v21, v8;
	v2 =	vadd.bf16 v18, v0  }
0x156: {  	s9 =	simm.s32 $0x80;
	v8 =	vld [tilespmem:s8+$0x9160];
	v3 =	vadd.bf16 v19, v9;
	v9 =	vadd.bf16 v22, v11  }
0x157: {  	s10 =	simm.s32 $0x400;
	v1 =	vld [tilespmem:s9+$0x3170];
	v0 =	vadd.bf16 v20, v10;
	[tilespmem:s8+$0x13100] =	vst v63;
	v10 =	vadd.bf16 v23, v62  }
.LBB2_8:
0x158: {  	p0 =	sne.s32 s10, $0x7E00;
	v11 =	vld [tilespmem:s9+$0x5170];
	[tilespmem:s8+$0x13110] =	vst v9;
	v6 =	vadd.bf16 v7, v6  }
0x159: {  	v7 =	vld [tilespmem:s9+$0x3100];
	[tilespmem:s8+$0x13120] =	vst v10;
	v2 =	vadd.bf16 v4, v2  }
0x15a: {  	v4 =	vld [tilespmem:s9+$0x7170];
	[tilespmem:s8+$0x13130] =	vst v6;
	v3 =	vadd.bf16 v5, v3  }
0x15b: {  	v5 =	vld [tilespmem:s9+$0x5100];
	[tilespmem:s8+$0x13140] =	vst v2;
	v0 =	vadd.bf16 v8, v0  }
0x15c: {  	v2 =	vld [tilespmem:s9+$0x9170];
	[tilespmem:s8+$0x13150] =	vst v3  }
0x15d: {  	v3 =	vld [tilespmem:s9+$0x3110];
	v1 =	vadd.bf16 v11, v1;
	[tilespmem:s8+$0x13160] =	vst v0;
	s8 =	smov.u32 s9  }
0x15e: {  	v0 =	vld [tilespmem:s8+$0x5110]  }
0x15f: {  	v6 =	vld [tilespmem:s8+$0x3120];
	v1 =	vadd.bf16 v4, v1  }
0x160: {  	v4 =	vadd.bf16 v5, v7;
	v5 =	vld [tilespmem:s8+$0x5120]  }
0x161: {  	v7 =	vld [tilespmem:s8+$0x3130];
	v1 =	vadd.bf16 v2, v1  }
0x162: {  	v2 =	vld [tilespmem:s8+$0x5130]  }
0x163: {  	v0 =	vadd.bf16 v0, v3;
	v3 =	vld [tilespmem:s8+$0x3140];
	[tilespmem:s8+$0x13170] =	vst v1  }
0x164: {  	v1 =	vld [tilespmem:s8+$0x5140]  }
0x165: {  	v5 =	vadd.bf16 v5, v6;
	v6 =	vld [tilespmem:s8+$0x3150]  }
0x166: {  	v8 =	vld [tilespmem:s8+$0x5150]  }
0x167: {  	v2 =	vadd.bf16 v2, v7;
	v7 =	vld [tilespmem:s8+$0x3160]  }
0x168: {  	v9 =	vld [tilespmem:s8+$0x5160]  }
0x169: {  	v10 =	vld [tilespmem:s8+$0x7100];
	v1 =	vadd.bf16 v1, v3  }
0x16a: {  	v3 =	vld [tilespmem:s8+$0x7110]  }
0x16b: {  	v11 =	vld [tilespmem:s8+$0x7120];
	v8 =	vadd.bf16 v8, v6  }
0x16c: {  	v6 =	vld [tilespmem:s8+$0x7130]  }
0x16d: {  	v12 =	vld [tilespmem:s8+$0x7140];
	v9 =	vadd.bf16 v9, v7  }
0x16e: {  	v10 =	vadd.bf16 v10, v4;
	v4 =	vld [tilespmem:s8+$0x7150]  }
0x16f: {  	v13 =	vadd.bf16 v3, v0;
	v0 =	vld [tilespmem:s8+$0x7160]  }
0x170: {  	v14 =	vld [tilespmem:s8+$0x9100];
	v11 =	vadd.bf16 v11, v5  }
0x171: {  	v15 =	vld [tilespmem:s8+$0x9110];
	v6 =	vadd.bf16 v6, v2  }
0x172: {  	v16 =	vld [tilespmem:s8+$0x9120];
	v2 =	vadd.bf16 v12, v1  }
.Ltmp3:
0x173: {  	v7 =	vld [tilespmem:s8+$0x9130];
	v3 =	vadd.bf16 v4, v8;
	(pc) =	sbr.rel @p0 .LBB2_8-.Ltmp3, $4  }
0x174: {  	v4 =	vld [tilespmem:s8+$0x9140];
	v0 =	vadd.bf16 v0, v9  }
0x175: {  	v10 =	vadd.bf16 v14, v10;
	v5 =	vld [tilespmem:s8+$0x9150]  }
0x176: {  	s9 =	sshra.s32 s10, $0x2;
	v9 =	vadd.bf16 v15, v13;
	v8 =	vld [tilespmem:s8+$0x9160]  }
0x177: {  	s10 =	sadd.s32 $0x200, s10;
	v1 =	vld [tilespmem:s9+$0x3170];
	[tilespmem:s8+$0x13100] =	vst v10;
	v10 =	vadd.bf16 v16, v11  }
0x178: {  	v11 =	vld [tilespmem:s9+$0x5170];
	[tilespmem:s8+$0x13110] =	vst v9;
	v6 =	vadd.bf16 v7, v6  }
0x179: {  	v9 =	vld [tilespmem:s9+$0x3100];
	[tilespmem:s8+$0x13120] =	vst v10;
	v2 =	vadd.bf16 v4, v2  }
0x17a: {  	v39 =	vld [tilespmem:s9+$0x7170];
	[tilespmem:s8+$0x13130] =	vst v6;
	v3 =	vadd.bf16 v5, v3  }
0x17b: {  	v40 =	vld [tilespmem:s9+$0x5100];
	[tilespmem:s8+$0x13140] =	vst v2;
	v0 =	vadd.bf16 v8, v0  }
0x17c: {  	v2 =	vld [tilespmem:s9+$0x9170];
	[tilespmem:s8+$0x13150] =	vst v3  }
0x17d: {  	v3 =	vld [tilespmem:s9+$0x3110];
	[tilespmem:s8+$0x13160] =	vst v0  }
0x17e: {  	v42 =	vld [tilespmem:s9+$0x5110]  }
0x17f: {  	v43 =	vld [tilespmem:s9+$0x3120]  }
0x180: {  	v6 =	vld [tilespmem:s9+$0x5120]  }
0x181: {  	v44 =	vld [tilespmem:s9+$0x3130]  }
0x182: {  	v45 =	vld [tilespmem:s9+$0x5130]  }
0x183: {  	v46 =	vld [tilespmem:s9+$0x3140]  }
0x184: {  	v47 =	vld [tilespmem:s9+$0x5140]  }
0x185: {  	v10 =	vld [tilespmem:s9+$0x3150]  }
0x186: {  	v48 =	vld [tilespmem:s9+$0x5150]  }
0x187: {  	v12 =	vld [tilespmem:s9+$0x3160]  }
0x188: {  	v13 =	vld [tilespmem:s9+$0x5160]  }
0x189: {  	v14 =	vld [tilespmem:s9+$0x7100]  }
0x18a: {  	v15 =	vld [tilespmem:s9+$0x7110]  }
0x18b: {  	v16 =	vld [tilespmem:s9+$0x7120]  }
0x18c: {  	v41 =	vadd.bf16 v11, v1;
	v17 =	vld [tilespmem:s9+$0x7130]  }
0x18d: {  	v18 =	vld [tilespmem:s9+$0x7140]  }
0x18e: {  	v19 =	vld [tilespmem:s9+$0x7150];
	v0 =	vadd.bf16 v39, v41  }
0x18f: {  	v20 =	vld [tilespmem:s9+$0x7160]  }
0x190: {  	v49 =	vld [tilespmem:s9+$0x9100];
	v4 =	vadd.bf16 v40, v9;
	v0 =	vadd.bf16 v2, v0  }
0x191: {  	v51 =	vld [tilespmem:s9+$0x9110];
	v1 =	vadd.bf16 v42, v3;
	v50 =	vadd.bf16 v6, v43  }
0x192: {  	v52 =	vld [tilespmem:s9+$0x9120];
	[tilespmem:s9+$0x13170] =	vst v0;
	v2 =	vadd.bf16 v45, v44;
	v0 =	vadd.bf16 v47, v46  }
0x193: {  	v54 =	vld [tilespmem:s9+$0x9130];
	v53 =	vadd.bf16 v48, v10;
	v4 =	vadd.bf16 v14, v4  }
0x194: {  	v56 =	vld [tilespmem:s9+$0x9140];
	v55 =	vadd.bf16 v13, v12;
	v1 =	vadd.bf16 v15, v1  }
0x195: {  	v57 =	vld [tilespmem:s9+$0x9150];
	v3 =	vadd.bf16 v16, v50;
	v4 =	vadd.bf16 v49, v4  }
0x196: {  	v58 =	vld [tilespmem:s9+$0x9160];
	v2 =	vadd.bf16 v17, v2;
	v1 =	vadd.bf16 v51, v1  }
0x197: {  	v0 =	vadd.bf16 v18, v0;
	[tilespmem:s9+$0x13100] =	vst v4;
	v3 =	vadd.bf16 v52, v3  }
0x198: {  	v59 =	vadd.bf16 v19, v53;
	v60 =	vadd.bf16 v54, v2;
	[tilespmem:s9+$0x13110] =	vst v1  }
0x199: {  	v61 =	vadd.bf16 v20, v55;
	v0 =	vadd.bf16 v56, v0;
	[tilespmem:s9+$0x13120] =	vst v3  }
0x19a: {  	v62 =	vadd.bf16 v57, v59;
	[tilespmem:s9+$0x13130] =	vst v60  }
0x19b: {  	v63 =	vadd.bf16 v58, v61;
	[tilespmem:s9+$0x13140] =	vst v0  }
0x19c: {  	[tilespmem:s9+$0x13150] =	vst v62  }
0x19d: {  	s0 =	sadd.s32 $0x1, s0;
	[tilespmem:s9+$0x13160] =	vst v63  }
0x19e: {  	[hbm4b:s11+s2] =	stream.linear.scatter [tilespmem:s28], [sflag:$0x3], $0x2000, $0x38;
	[tilespmem:$0x17100] =	vst v63  }
0x19f: {  	p0 =	sne.s32 s0, s12;
	_ =	swait.ge [sflag:s31], $0x2000  }
.Ltmp4:
0x1a0: {  	[sflag:s31] =	ssyncset.done $0x0;
	(pc) =	sbr.rel @p0 .LBB2_1-.Ltmp4, $4  }
0x1a1: {  	[sflag:s31] =	ssyncadd.s32 $0xFFFFE000  }
0x1a2: {  	_ =	swait.ge [sflag:s1], $0x2000  }
0x1a3: {  	[sflag:s1] =	ssyncset.done $0x0  }
0x1a4: {  	[sflag:s1] =	ssyncadd.s32 $0xFFFFE000  }
0x1a5: {  	_ =	sfence.sel $0x180000  }
0x1a6: {  	[bflag:$0x0] =	sbarrier.arrive $0xFFFF  }
0x1a7: {  	_ =	strace $0x90000047  }
0x1a8: {  	s0 =	stileid.u32;
	[bflag:$0x2] =	sbarrier.arrive $0xFFFF  }
0x1a9: {  	p0 =	sne.s32 s0, $0x0;
	s0 =	rddreg [dreg:$0x2]  }
0x1aa: {  	s0 =	sadd.s32 @!p0 $0x100000, s0  }
0x1ab: {  	[sflag:s0] =	ssyncadd.tile.s32 @!p0 $0x1;
	_ =	shalt  }
.Lfunc_end2:
_tile_overlayer_lowered:
.L_overlay_start_2:
0x1ac: {  	(tag) =	ssettag $0x2  }
0x1ad: {  	s0 =	rddreg [dreg:$0x0];
	s2 =	stileid.u32  }
0x1ae: {  	s1 =	rddreg [dreg:$0x1];
	p0 =	sne.s32 s2, $0x0  }
0x1af: {  	s3 =	rddreg [dreg:$0x2];
	[bflag:$0x3] =	sbarrier.arrive $0xFFFF;
	s2 =	simm.s32 @!p0 $0x1C05  }
0x1b0: {  	[timem:s3], [sflag:s2] =	dma.local @!p0 [hbm:s0], s1  }
0x1b1: {  	s0 =	simm.s32 @!p0 $0x5  }
0x1b2: {  	_ =	swait.ge @!p0 [sflag:s0], s1  }
0x1b3: {  	s1 =	ssub.s32 @!p0 $0x0, s1;
	[sflag:s0] =	ssyncset.done @!p0 $0x0  }
0x1b4: {  	[sflag:s0] =	ssyncadd.s32 @!p0 s1  }
0x1b5: {  	[bflag:$0x3] =	sbarrier.arrive $0xFFFF  }
0x1b6: {  	_ =	shalt  }

</sc_bundles>
